<compile_context>
chip_gen: v7x
topology: tpu7x:2x2x1
jax: 0.10.2.dev20260603
libtpu: 0.0.44.dev20260713+nightly
codegen_flags: <defaults>
</compile_context>

<pallas_src>
import functools

import jax
import jax.numpy as jnp
from jax import lax
from jax.experimental import pallas as pl
from jax.experimental.pallas import tpu as pltpu
from jax.experimental.pallas import tpu_sc as plsc

VOCAB = 100000
EMB = 128
HID = 1024
TAGS = 256
B = 4096
L = 200

NC = 2
NS = 16
NW = NC * NS
RPW = B // NW
TPW = RPW * L
NVEC = EMB // 16
PK = EMB // 2
NBUF = 3
S0, S1 = 128, 72
INV_L = 1.0 / L


def _pool_body(x_hbm, emb_hbm, out_hbm, idx_all, rows_v, out_v, sems):
    wid = lax.axis_index("s") * NC + lax.axis_index("c")

    pltpu.sync_copy(x_hbm.at[pl.ds(wid * RPW, RPW)], idx_all)

    def fire(row, buf):
        pltpu.async_copy(emb_hbm.at[idx_all.at[row, pl.ds(0, S0)]],
                         rows_v.at[buf, pl.ds(0, S0)], sems.at[buf])
        pltpu.async_copy(emb_hbm.at[idx_all.at[row, pl.ds(S0, S1)]],
                         rows_v.at[buf, pl.ds(S0, S1)], sems.at[buf])

    def drain(buf):
        pltpu.make_async_copy(emb_hbm.at[idx_all.at[0, pl.ds(0, S0)]],
                              rows_v.at[buf, pl.ds(0, S0)], sems.at[buf]).wait()
        pltpu.make_async_copy(emb_hbm.at[idx_all.at[0, pl.ds(S0, S1)]],
                              rows_v.at[buf, pl.ds(S0, S1)], sems.at[buf]).wait()

    for r in range(NBUF - 1):
        fire(r, r)

    def outer(i):
        for b in range(NBUF):
            row = i + b
            fire(lax.min(row + NBUF - 1, RPW - 1), (b + NBUF - 1) % NBUF)
            drain(b)

            def red(j, accs):
                return tuple(a + rows_v[b, j, pl.ds(16 * k, 16)]
                             for k, a in enumerate(accs))

            accs = lax.fori_loop(
                0, L, red,
                tuple(jnp.zeros((16,), jnp.float32) for _ in range(NVEC)))
            for k in range(NVEC):
                out_v[row, pl.ds(16 * k, 16)] = accs[k] * INV_L

    pl.loop(0, RPW, step=NBUF)(outer)
    for b in range(NBUF - 1):
        drain(b)
    pltpu.sync_copy(out_v, out_hbm.at[pl.ds(wid * RPW, RPW)])


@functools.partial(jax.jit, static_argnames=())
def _pool(x_flat, packed):
    mesh = plsc.VectorSubcoreMesh(core_axis_name="c", subcore_axis_name="s")
    return pl.kernel(
        _pool_body,
        out_type=jax.ShapeDtypeStruct((B, EMB), jnp.float32),
        mesh=mesh,
        scratch_types=[
            pltpu.VMEM((RPW, L), jnp.int32),
            pltpu.VMEM((NBUF, L, EMB), jnp.float32),
            pltpu.VMEM((RPW, EMB), jnp.float32),
            pltpu.SemaphoreType.DMA((NBUF,)),
        ],
    )(x_flat, packed)


def _mlp_block(p_ref, w1_ref, b1_ref, w2_ref, b2_ref, o_ref):
    h = jnp.dot(p_ref[...], w1_ref[...], preferred_element_type=jnp.float32)
    h = jnp.maximum(h + b1_ref[...], 0.0)
    o_ref[...] = jnp.dot(h, w2_ref[...],
                         preferred_element_type=jnp.float32) + b2_ref[...]


def _mlp(pooled, W1, b1, W2, b2):
    BM = 2048
    return pl.pallas_call(
        _mlp_block,
        grid=(B // BM,),
        in_specs=[
            pl.BlockSpec((BM, EMB), lambda i: (i, 0)),
            pl.BlockSpec((EMB, HID), lambda i: (0, 0)),
            pl.BlockSpec((1, HID), lambda i: (0, 0)),
            pl.BlockSpec((HID, TAGS), lambda i: (0, 0)),
            pl.BlockSpec((1, TAGS), lambda i: (0, 0)),
        ],
        out_specs=pl.BlockSpec((BM, TAGS), lambda i: (i, 0)),
        out_shape=jax.ShapeDtypeStruct((B, TAGS), jnp.float32),
    )(pooled, W1, b1.reshape(1, HID), W2, b2.reshape(1, TAGS))


def kernel(x, emb, W1, b1, W2, b2):
    pooled = _pool(x.astype(jnp.int32), emb)
    return _mlp(pooled, W1, b1, W2, b2)

# --- scband reference (transcript-rebuilt; emitter-appended) ---
"""Pipeline reference for scband-intent-classifier-81088982548879 (READ-ONLY COPY).

The authoritative reference and input builder live on the scoring server;
editing this copy changes nothing except your own understanding.
"""

import jax, jax.numpy as jnp
import numpy as np

VOCAB = 100000
EMB = 128
HID = 1024
TAGS = 256
B = 4096
L = 200


def setup_inputs(seed: int = 0) -> dict:
    key = jax.random.key(seed)
    k1, k2, k3, k4 = jax.random.split(key, 4)
    x = jax.random.randint(k1, (B, L), 0, VOCAB, dtype=jnp.int64)
    emb = jax.random.normal(k2, (VOCAB, EMB), dtype=jnp.float32) * 0.02
    emb = emb.at[0].set(0.0)  # padding_idx=0
    W1 = jax.random.normal(k3, (EMB, HID), dtype=jnp.float32) * (1.0 / np.sqrt(EMB))
    b1 = jnp.zeros((HID,), dtype=jnp.float32)
    W2 = jax.random.normal(k4, (HID, TAGS), dtype=jnp.float32) * (1.0 / np.sqrt(HID))
    b2 = jnp.zeros((TAGS,), dtype=jnp.float32)
    return {"x": x, "emb": emb, "W1": W1, "b1": b1, "W2": W2, "b2": b2}


def reference(x, emb, W1, b1, W2, b2):
    # nn.Embedding with padding_idx=0: row 0 contributes zeros
    emb_t = emb.at[0].set(0.0)
    embedded = jnp.take(emb_t, x, axis=0)          # [B, L, EMB]
    pooled = embedded.mean(axis=1)                  # [B, EMB]
    h = jnp.maximum(pooled @ W1 + b1, 0.0)          # fc1 + ReLU
    out = h @ W2 + b2                               # fc2
    return out

if __name__ == "__main__":
    import jax
    _d = setup_inputs()
    print(jax.jit(kernel)(*tuple(_d.values())))

</pallas_src>

<mosaic_0001>
#map = affine_map<(d0, d1) -> (0, 0)>
module attributes {stable_mosaic.version = 14 : i64} {
  func.func @_pool_body(%arg0: i32, %arg1: i32, %arg2: memref<4096x200xi32, #tpu.memory_space<hbm>>, %arg3: memref<100000x128xf32, #tpu.memory_space<hbm>>, %arg4: memref<4096x128xf32, #tpu.memory_space<hbm>>, %arg5: memref<128x200xi32, #tpu.memory_space<vmem>>, %arg6: memref<3x200x128xf32, #tpu.memory_space<vmem>>, %arg7: memref<128x128xf32, #tpu.memory_space<vmem>>, %arg8: memref<3x!tpu.dma_semaphore, #tpu.memory_space<semaphore_mem>>) attributes {dimension_semantics = [#tpu.dimension_semantics<core_parallel>, #tpu.dimension_semantics<subcore_parallel>], iteration_bounds = array<i64: 2, 16>, scalar_prefetch = 0 : i64, scratch_operands = 4 : i64, tpu.core_type = #tpu.core_type<sc_vector_subcore>, window_params = [{transform_indices = #map}, {transform_indices = #map}, {transform_indices = #map}]} {
    %mul3A = arith.constant 2 : i32
    %mul3A_0 = arith.muli %arg1, %mul3A : i32
    %add3A = arith.addi %mul3A_0, %arg0 : i32
    %mul3A_1 = arith.constant 128 : i32
    %mul3A_2 = arith.muli %add3A, %mul3A_1 : i32
    "tpu.region"() ({
      %run_scoped3A = tpu.sem_alloc : memref<!tpu.dma_semaphore, #tpu.memory_space<semaphore_mem>>
      %dma_start3A_127 = arith.constant 0 : i32
      %dma_start3A_128 = tpu.memref_slice %arg2[%mul3A_2, %dma_start3A_127] : memref<4096x200xi32, #tpu.memory_space<hbm>> -> memref<128x200xi32, #tpu.memory_space<hbm>>
      %dma_start3A_129 = arith.constant 0 : i32
      %dma_start3A_130 = tpu.memref_slice %arg2[%mul3A_2, %dma_start3A_129] : memref<4096x200xi32, #tpu.memory_space<hbm>> -> memref<128x200xi32, #tpu.memory_space<hbm>>
      tpu.enqueue_dma source(%dma_start3A_130 : memref<128x200xi32, #tpu.memory_space<hbm>>) target(%arg5 : memref<128x200xi32, #tpu.memory_space<vmem>>) target_semaphore(%run_scoped3A : memref<!tpu.dma_semaphore, #tpu.memory_space<semaphore_mem>>)
      %dma_wait3A_131 = arith.constant 0 : i32
      %dma_wait3A_132 = tpu.memref_slice %arg2[%mul3A_2, %dma_wait3A_131] : memref<4096x200xi32, #tpu.memory_space<hbm>> -> memref<128x200xi32, #tpu.memory_space<hbm>>
      %dma_wait3A_133 = arith.constant 0 : i32
      %dma_wait3A_134 = tpu.memref_slice %arg2[%mul3A_2, %dma_wait3A_133] : memref<4096x200xi32, #tpu.memory_space<hbm>> -> memref<128x200xi32, #tpu.memory_space<hbm>>
      tpu.wait_dma2 semaphore(%run_scoped3A : memref<!tpu.dma_semaphore, #tpu.memory_space<semaphore_mem>>) src(%dma_wait3A_134 : memref<128x200xi32, #tpu.memory_space<hbm>>) dst(%arg5 : memref<128x200xi32, #tpu.memory_space<vmem>>)
      tpu.yield
    }) : () -> ()
    %dma_start3A = arith.constant 0 : i32
    %dma_start3A_3 = arith.constant 0 : i32
    %dma_start3A_4 = arith.constant 0 : i32
    %dma_start3A_5 = arith.constant 0 : i32
    %dma_start3A_6 = arith.constant 0 : i32
    %dma_start3A_7 = tpu.memref_slice %arg6[%dma_start3A_3, %dma_start3A_5, %dma_start3A_6] : memref<3x200x128xf32, #tpu.memory_space<vmem>> -> memref<1x128x128xf32, #tpu.memory_space<vmem>>
    %dma_start3A_8 = tpu.memref_squeeze %dma_start3A_7 : memref<1x128x128xf32, #tpu.memory_space<vmem>> -> memref<128x128xf32, #tpu.memory_space<vmem>>
    %dma_start3A_9 = arith.constant 0 : i32
    %dma_start3A_10 = tpu.memref_slice %arg5[%dma_start3A, %dma_start3A_9] : memref<128x200xi32, #tpu.memory_space<vmem>> -> memref<1x128xi32, #tpu.memory_space<vmem>>
    %dma_start3A_11 = tpu.memref_squeeze %dma_start3A_10 : memref<1x128xi32, #tpu.memory_space<vmem>> -> memref<128xi32, #tpu.memory_space<vmem>>
    %dma_start3A_12 = arith.constant 0 : i32
    %dma_start3A_13 = arith.constant 0 : i32
    %dma_start3A_14 = tpu.memref_slice %arg3[%dma_start3A_12, %dma_start3A_13] : memref<100000x128xf32, #tpu.memory_space<hbm>> -> memref<100000x128xf32, #tpu.memory_space<hbm>>
    %dma_start3A_15 = tpu.memref_slice %arg8[%dma_start3A_4] : memref<3x!tpu.dma_semaphore, #tpu.memory_space<semaphore_mem>> -> memref<1x!tpu.dma_semaphore, #tpu.memory_space<semaphore_mem>>
    %dma_start3A_16 = tpu.memref_squeeze %dma_start3A_15 : memref<1x!tpu.dma_semaphore, #tpu.memory_space<semaphore_mem>> -> memref<!tpu.dma_semaphore, #tpu.memory_space<semaphore_mem>>
    tpu.enqueue_indirect_dma source(%dma_start3A_14 : memref<100000x128xf32, #tpu.memory_space<hbm>>) target(%dma_start3A_8 : memref<128x128xf32, #tpu.memory_space<vmem>>) offsets(%dma_start3A_11 : memref<128xi32, #tpu.memory_space<vmem>>) semaphore(%dma_start3A_16 : memref<!tpu.dma_semaphore, #tpu.memory_space<semaphore_mem>>)
    %dma_start3A_17 = arith.constant 0 : i32
    %dma_start3A_18 = arith.constant 0 : i32
    %dma_start3A_19 = arith.constant 0 : i32
    %dma_start3A_20 = arith.constant 128 : i32
    %dma_start3A_21 = arith.constant 0 : i32
    %dma_start3A_22 = tpu.memref_slice %arg6[%dma_start3A_18, %dma_start3A_20, %dma_start3A_21] : memref<3x200x128xf32, #tpu.memory_space<vmem>> -> memref<1x72x128xf32, #tpu.memory_space<vmem>>
    %dma_start3A_23 = tpu.memref_squeeze %dma_start3A_22 : memref<1x72x128xf32, #tpu.memory_space<vmem>> -> memref<72x128xf32, #tpu.memory_space<vmem>>
    %dma_start3A_24 = arith.constant 128 : i32
    %dma_start3A_25 = tpu.memref_slice %arg5[%dma_start3A_17, %dma_start3A_24] : memref<128x200xi32, #tpu.memory_space<vmem>> -> memref<1x72xi32, #tpu.memory_space<vmem>>
    %dma_start3A_26 = tpu.memref_squeeze %dma_start3A_25 : memref<1x72xi32, #tpu.memory_space<vmem>> -> memref<72xi32, #tpu.memory_space<vmem>>
    %dma_start3A_27 = arith.constant 0 : i32
    %dma_start3A_28 = arith.constant 0 : i32
    %dma_start3A_29 = tpu.memref_slice %arg3[%dma_start3A_27, %dma_start3A_28] : memref<100000x128xf32, #tpu.memory_space<hbm>> -> memref<100000x128xf32, #tpu.memory_space<hbm>>
    %dma_start3A_30 = tpu.memref_slice %arg8[%dma_start3A_19] : memref<3x!tpu.dma_semaphore, #tpu.memory_space<semaphore_mem>> -> memref<1x!tpu.dma_semaphore, #tpu.memory_space<semaphore_mem>>
    %dma_start3A_31 = tpu.memref_squeeze %dma_start3A_30 : memref<1x!tpu.dma_semaphore, #tpu.memory_space<semaphore_mem>> -> memref<!tpu.dma_semaphore, #tpu.memory_space<semaphore_mem>>
    tpu.enqueue_indirect_dma source(%dma_start3A_29 : memref<100000x128xf32, #tpu.memory_space<hbm>>) target(%dma_start3A_23 : memref<72x128xf32, #tpu.memory_space<vmem>>) offsets(%dma_start3A_26 : memref<72xi32, #tpu.memory_space<vmem>>) semaphore(%dma_start3A_31 : memref<!tpu.dma_semaphore, #tpu.memory_space<semaphore_mem>>)
    %dma_start3A_32 = arith.constant 1 : i32
    %dma_start3A_33 = arith.constant 1 : i32
    %dma_start3A_34 = arith.constant 1 : i32
    %dma_start3A_35 = arith.constant 0 : i32
    %dma_start3A_36 = arith.constant 0 : i32
    %dma_start3A_37 = tpu.memref_slice %arg6[%dma_start3A_33, %dma_start3A_35, %dma_start3A_36] : memref<3x200x128xf32, #tpu.memory_space<vmem>> -> memref<1x128x128xf32, #tpu.memory_space<vmem>>
    %dma_start3A_38 = tpu.memref_squeeze %dma_start3A_37 : memref<1x128x128xf32, #tpu.memory_space<vmem>> -> memref<128x128xf32, #tpu.memory_space<vmem>>
    %dma_start3A_39 = arith.constant 0 : i32
    %dma_start3A_40 = tpu.memref_slice %arg5[%dma_start3A_32, %dma_start3A_39] : memref<128x200xi32, #tpu.memory_space<vmem>> -> memref<1x128xi32, #tpu.memory_space<vmem>>
    %dma_start3A_41 = tpu.memref_squeeze %dma_start3A_40 : memref<1x128xi32, #tpu.memory_space<vmem>> -> memref<128xi32, #tpu.memory_space<vmem>>
    %dma_start3A_42 = arith.constant 0 : i32
    %dma_start3A_43 = arith.constant 0 : i32
    %dma_start3A_44 = tpu.memref_slice %arg3[%dma_start3A_42, %dma_start3A_43] : memref<100000x128xf32, #tpu.memory_space<hbm>> -> memref<100000x128xf32, #tpu.memory_space<hbm>>
    %dma_start3A_45 = tpu.memref_slice %arg8[%dma_start3A_34] : memref<3x!tpu.dma_semaphore, #tpu.memory_space<semaphore_mem>> -> memref<1x!tpu.dma_semaphore, #tpu.memory_space<semaphore_mem>>
    %dma_start3A_46 = tpu.memref_squeeze %dma_start3A_45 : memref<1x!tpu.dma_semaphore, #tpu.memory_space<semaphore_mem>> -> memref<!tpu.dma_semaphore, #tpu.memory_space<semaphore_mem>>
    tpu.enqueue_indirect_dma source(%dma_start3A_44 : memref<100000x128xf32, #tpu.memory_space<hbm>>) target(%dma_start3A_38 : memref<128x128xf32, #tpu.memory_space<vmem>>) offsets(%dma_start3A_41 : memref<128xi32, #tpu.memory_space<vmem>>) semaphore(%dma_start3A_46 : memref<!tpu.dma_semaphore, #tpu.memory_space<semaphore_mem>>)
    %dma_start3A_47 = arith.constant 1 : i32
    %dma_start3A_48 = arith.constant 1 : i32
    %dma_start3A_49 = arith.constant 1 : i32
    %dma_start3A_50 = arith.constant 128 : i32
    %dma_start3A_51 = arith.constant 0 : i32
    %dma_start3A_52 = tpu.memref_slice %arg6[%dma_start3A_48, %dma_start3A_50, %dma_start3A_51] : memref<3x200x128xf32, #tpu.memory_space<vmem>> -> memref<1x72x128xf32, #tpu.memory_space<vmem>>
    %dma_start3A_53 = tpu.memref_squeeze %dma_start3A_52 : memref<1x72x128xf32, #tpu.memory_space<vmem>> -> memref<72x128xf32, #tpu.memory_space<vmem>>
    %dma_start3A_54 = arith.constant 128 : i32
    %dma_start3A_55 = tpu.memref_slice %arg5[%dma_start3A_47, %dma_start3A_54] : memref<128x200xi32, #tpu.memory_space<vmem>> -> memref<1x72xi32, #tpu.memory_space<vmem>>
    %dma_start3A_56 = tpu.memref_squeeze %dma_start3A_55 : memref<1x72xi32, #tpu.memory_space<vmem>> -> memref<72xi32, #tpu.memory_space<vmem>>
    %dma_start3A_57 = arith.constant 0 : i32
    %dma_start3A_58 = arith.constant 0 : i32
    %dma_start3A_59 = tpu.memref_slice %arg3[%dma_start3A_57, %dma_start3A_58] : memref<100000x128xf32, #tpu.memory_space<hbm>> -> memref<100000x128xf32, #tpu.memory_space<hbm>>
    %dma_start3A_60 = tpu.memref_slice %arg8[%dma_start3A_49] : memref<3x!tpu.dma_semaphore, #tpu.memory_space<semaphore_mem>> -> memref<1x!tpu.dma_semaphore, #tpu.memory_space<semaphore_mem>>
    %dma_start3A_61 = tpu.memref_squeeze %dma_start3A_60 : memref<1x!tpu.dma_semaphore, #tpu.memory_space<semaphore_mem>> -> memref<!tpu.dma_semaphore, #tpu.memory_space<semaphore_mem>>
    tpu.enqueue_indirect_dma source(%dma_start3A_59 : memref<100000x128xf32, #tpu.memory_space<hbm>>) target(%dma_start3A_53 : memref<72x128xf32, #tpu.memory_space<vmem>>) offsets(%dma_start3A_56 : memref<72xi32, #tpu.memory_space<vmem>>) semaphore(%dma_start3A_61 : memref<!tpu.dma_semaphore, #tpu.memory_space<semaphore_mem>>)
    %scan3A = arith.constant 0 : i32
    %scan3A_62 = arith.constant 43 : i32
    %scan3A_63 = arith.addi %scan3A, %scan3A_62 : i32
    %scan3A_64 = arith.constant 1 : i32
    scf.for %scan3A_127 = %scan3A to %scan3A_63 step %scan3A_64  : i32 {
      %mul3A_128 = arith.constant 3 : i32
      %mul3A_129 = arith.muli %scan3A_127, %mul3A_128 : i32
      %add3A_130 = arith.constant 0 : i32
      %add3A_131 = arith.addi %add3A_130, %mul3A_129 : i32
      %add3A_132 = arith.constant 0 : i32
      %add3A_133 = arith.addi %add3A_131, %add3A_132 : i32
      %add3A_134 = arith.constant 3 : i32
      %add3A_135 = arith.addi %add3A_133, %add3A_134 : i32
      %sub3A = arith.constant 1 : i32
      %sub3A_136 = arith.subi %add3A_135, %sub3A : i32
      %min3A = arith.constant 127 : i32
      %min3A_137 = arith.minsi %sub3A_136, %min3A : i32
      %dma_start3A_138 = arith.constant 2 : i32
      %dma_start3A_139 = arith.constant 2 : i32
      %dma_start3A_140 = arith.constant 0 : i32
      %dma_start3A_141 = arith.constant 0 : i32
      %dma_start3A_142 = tpu.memref_slice %arg6[%dma_start3A_138, %dma_start3A_140, %dma_start3A_141] : memref<3x200x128xf32, #tpu.memory_space<vmem>> -> memref<1x128x128xf32, #tpu.memory_space<vmem>>
      %dma_start3A_143 = tpu.memref_squeeze %dma_start3A_142 : memref<1x128x128xf32, #tpu.memory_space<vmem>> -> memref<128x128xf32, #tpu.memory_space<vmem>>
      %dma_start3A_144 = arith.constant 0 : i32
      %dma_start3A_145 = tpu.memref_slice %arg5[%min3A_137, %dma_start3A_144] : memref<128x200xi32, #tpu.memory_space<vmem>> -> memref<1x128xi32, #tpu.memory_space<vmem>>
      %dma_start3A_146 = tpu.memref_squeeze %dma_start3A_145 : memref<1x128xi32, #tpu.memory_space<vmem>> -> memref<128xi32, #tpu.memory_space<vmem>>
      %dma_start3A_147 = arith.constant 0 : i32
      %dma_start3A_148 = arith.constant 0 : i32
      %dma_start3A_149 = tpu.memref_slice %arg3[%dma_start3A_147, %dma_start3A_148] : memref<100000x128xf32, #tpu.memory_space<hbm>> -> memref<100000x128xf32, #tpu.memory_space<hbm>>
      %dma_start3A_150 = tpu.memref_slice %arg8[%dma_start3A_139] : memref<3x!tpu.dma_semaphore, #tpu.memory_space<semaphore_mem>> -> memref<1x!tpu.dma_semaphore, #tpu.memory_space<semaphore_mem>>
      %dma_start3A_151 = tpu.memref_squeeze %dma_start3A_150 : memref<1x!tpu.dma_semaphore, #tpu.memory_space<semaphore_mem>> -> memref<!tpu.dma_semaphore, #tpu.memory_space<semaphore_mem>>
      tpu.enqueue_indirect_dma source(%dma_start3A_149 : memref<100000x128xf32, #tpu.memory_space<hbm>>) target(%dma_start3A_143 : memref<128x128xf32, #tpu.memory_space<vmem>>) offsets(%dma_start3A_146 : memref<128xi32, #tpu.memory_space<vmem>>) semaphore(%dma_start3A_151 : memref<!tpu.dma_semaphore, #tpu.memory_space<semaphore_mem>>)
      %dma_start3A_152 = arith.constant 2 : i32
      %dma_start3A_153 = arith.constant 2 : i32
      %dma_start3A_154 = arith.constant 128 : i32
      %dma_start3A_155 = arith.constant 0 : i32
      %dma_start3A_156 = tpu.memref_slice %arg6[%dma_start3A_152, %dma_start3A_154, %dma_start3A_155] : memref<3x200x128xf32, #tpu.memory_space<vmem>> -> memref<1x72x128xf32, #tpu.memory_space<vmem>>
      %dma_start3A_157 = tpu.memref_squeeze %dma_start3A_156 : memref<1x72x128xf32, #tpu.memory_space<vmem>> -> memref<72x128xf32, #tpu.memory_space<vmem>>
      %dma_start3A_158 = arith.constant 128 : i32
      %dma_start3A_159 = tpu.memref_slice %arg5[%min3A_137, %dma_start3A_158] : memref<128x200xi32, #tpu.memory_space<vmem>> -> memref<1x72xi32, #tpu.memory_space<vmem>>
      %dma_start3A_160 = tpu.memref_squeeze %dma_start3A_159 : memref<1x72xi32, #tpu.memory_space<vmem>> -> memref<72xi32, #tpu.memory_space<vmem>>
      %dma_start3A_161 = arith.constant 0 : i32
      %dma_start3A_162 = arith.constant 0 : i32
      %dma_start3A_163 = tpu.memref_slice %arg3[%dma_start3A_161, %dma_start3A_162] : memref<100000x128xf32, #tpu.memory_space<hbm>> -> memref<100000x128xf32, #tpu.memory_space<hbm>>
      %dma_start3A_164 = tpu.memref_slice %arg8[%dma_start3A_153] : memref<3x!tpu.dma_semaphore, #tpu.memory_space<semaphore_mem>> -> memref<1x!tpu.dma_semaphore, #tpu.memory_space<semaphore_mem>>
      %dma_start3A_165 = tpu.memref_squeeze %dma_start3A_164 : memref<1x!tpu.dma_semaphore, #tpu.memory_space<semaphore_mem>> -> memref<!tpu.dma_semaphore, #tpu.memory_space<semaphore_mem>>
      tpu.enqueue_indirect_dma source(%dma_start3A_163 : memref<100000x128xf32, #tpu.memory_space<hbm>>) target(%dma_start3A_157 : memref<72x128xf32, #tpu.memory_space<vmem>>) offsets(%dma_start3A_160 : memref<72xi32, #tpu.memory_space<vmem>>) semaphore(%dma_start3A_165 : memref<!tpu.dma_semaphore, #tpu.memory_space<semaphore_mem>>)
      %dma_wait3A_166 = arith.constant 0 : i32
      %dma_wait3A_167 = arith.constant 0 : i32
      %dma_wait3A_168 = arith.constant 0 : i32
      %dma_wait3A_169 = arith.constant 0 : i32
      %dma_wait3A_170 = arith.constant 0 : i32
      %dma_wait3A_171 = tpu.memref_slice %arg6[%dma_wait3A_167, %dma_wait3A_169, %dma_wait3A_170] : memref<3x200x128xf32, #tpu.memory_space<vmem>> -> memref<1x128x128xf32, #tpu.memory_space<vmem>>
      %dma_wait3A_172 = tpu.memref_squeeze %dma_wait3A_171 : memref<1x128x128xf32, #tpu.memory_space<vmem>> -> memref<128x128xf32, #tpu.memory_space<vmem>>
      %dma_wait3A_173 = arith.constant 0 : i32
      %dma_wait3A_174 = tpu.memref_slice %arg5[%dma_wait3A_166, %dma_wait3A_173] : memref<128x200xi32, #tpu.memory_space<vmem>> -> memref<1x128xi32, #tpu.memory_space<vmem>>
      %dma_wait3A_175 = tpu.memref_squeeze %dma_wait3A_174 : memref<1x128xi32, #tpu.memory_space<vmem>> -> memref<128xi32, #tpu.memory_space<vmem>>
      %dma_wait3A_176 = arith.constant 0 : i32
      %dma_wait3A_177 = arith.constant 0 : i32
      %dma_wait3A_178 = tpu.memref_slice %arg3[%dma_wait3A_176, %dma_wait3A_177] : memref<100000x128xf32, #tpu.memory_space<hbm>> -> memref<100000x128xf32, #tpu.memory_space<hbm>>
      %dma_wait3A_179 = tpu.memref_slice %arg8[%dma_wait3A_168] : memref<3x!tpu.dma_semaphore, #tpu.memory_space<semaphore_mem>> -> memref<1x!tpu.dma_semaphore, #tpu.memory_space<semaphore_mem>>
      %dma_wait3A_180 = tpu.memref_squeeze %dma_wait3A_179 : memref<1x!tpu.dma_semaphore, #tpu.memory_space<semaphore_mem>> -> memref<!tpu.dma_semaphore, #tpu.memory_space<semaphore_mem>>
      tpu.wait_indirect_dma semaphore(%dma_wait3A_180 : memref<!tpu.dma_semaphore, #tpu.memory_space<semaphore_mem>>) src(%dma_wait3A_178 : memref<100000x128xf32, #tpu.memory_space<hbm>>) dst(%dma_wait3A_172 : memref<128x128xf32, #tpu.memory_space<vmem>>)
      %dma_wait3A_181 = arith.constant 0 : i32
      %dma_wait3A_182 = arith.constant 0 : i32
      %dma_wait3A_183 = arith.constant 0 : i32
      %dma_wait3A_184 = arith.constant 128 : i32
      %dma_wait3A_185 = arith.constant 0 : i32
      %dma_wait3A_186 = tpu.memref_slice %arg6[%dma_wait3A_182, %dma_wait3A_184, %dma_wait3A_185] : memref<3x200x128xf32, #tpu.memory_space<vmem>> -> memref<1x72x128xf32, #tpu.memory_space<vmem>>
      %dma_wait3A_187 = tpu.memref_squeeze %dma_wait3A_186 : memref<1x72x128xf32, #tpu.memory_space<vmem>> -> memref<72x128xf32, #tpu.memory_space<vmem>>
      %dma_wait3A_188 = arith.constant 128 : i32
      %dma_wait3A_189 = tpu.memref_slice %arg5[%dma_wait3A_181, %dma_wait3A_188] : memref<128x200xi32, #tpu.memory_space<vmem>> -> memref<1x72xi32, #tpu.memory_space<vmem>>
      %dma_wait3A_190 = tpu.memref_squeeze %dma_wait3A_189 : memref<1x72xi32, #tpu.memory_space<vmem>> -> memref<72xi32, #tpu.memory_space<vmem>>
      %dma_wait3A_191 = arith.constant 0 : i32
      %dma_wait3A_192 = arith.constant 0 : i32
      %dma_wait3A_193 = tpu.memref_slice %arg3[%dma_wait3A_191, %dma_wait3A_192] : memref<100000x128xf32, #tpu.memory_space<hbm>> -> memref<100000x128xf32, #tpu.memory_space<hbm>>
      %dma_wait3A_194 = tpu.memref_slice %arg8[%dma_wait3A_183] : memref<3x!tpu.dma_semaphore, #tpu.memory_space<semaphore_mem>> -> memref<1x!tpu.dma_semaphore, #tpu.memory_space<semaphore_mem>>
      %dma_wait3A_195 = tpu.memref_squeeze %dma_wait3A_194 : memref<1x!tpu.dma_semaphore, #tpu.memory_space<semaphore_mem>> -> memref<!tpu.dma_semaphore, #tpu.memory_space<semaphore_mem>>
      tpu.wait_indirect_dma semaphore(%dma_wait3A_195 : memref<!tpu.dma_semaphore, #tpu.memory_space<semaphore_mem>>) src(%dma_wait3A_193 : memref<100000x128xf32, #tpu.memory_space<hbm>>) dst(%dma_wait3A_187 : memref<72x128xf32, #tpu.memory_space<vmem>>)
      %broadcast_in_dim3A = arith.constant 0.000000e+00 : f32
      %broadcast_in_dim3A_196 = vector.broadcast %broadcast_in_dim3A : f32 to vector<16xf32>
      %broadcast_in_dim3A_197 = arith.constant 0.000000e+00 : f32
      %broadcast_in_dim3A_198 = vector.broadcast %broadcast_in_dim3A_197 : f32 to vector<16xf32>
      %broadcast_in_dim3A_199 = arith.constant 0.000000e+00 : f32
      %broadcast_in_dim3A_200 = vector.broadcast %broadcast_in_dim3A_199 : f32 to vector<16xf32>
      %broadcast_in_dim3A_201 = arith.constant 0.000000e+00 : f32
      %broadcast_in_dim3A_202 = vector.broadcast %broadcast_in_dim3A_201 : f32 to vector<16xf32>
      %broadcast_in_dim3A_203 = arith.constant 0.000000e+00 : f32
      %broadcast_in_dim3A_204 = vector.broadcast %broadcast_in_dim3A_203 : f32 to vector<16xf32>
      %broadcast_in_dim3A_205 = arith.constant 0.000000e+00 : f32
      %broadcast_in_dim3A_206 = vector.broadcast %broadcast_in_dim3A_205 : f32 to vector<16xf32>
      %broadcast_in_dim3A_207 = arith.constant 0.000000e+00 : f32
      %broadcast_in_dim3A_208 = vector.broadcast %broadcast_in_dim3A_207 : f32 to vector<16xf32>
      %broadcast_in_dim3A_209 = arith.constant 0.000000e+00 : f32
      %broadcast_in_dim3A_210 = vector.broadcast %broadcast_in_dim3A_209 : f32 to vector<16xf32>
      %scan3A_211 = arith.constant 0 : i32
      %scan3A_212 = arith.constant 200 : i32
      %scan3A_213 = arith.addi %scan3A_211, %scan3A_212 : i32
      %scan3A_214 = arith.constant 1 : i32
      %scan3A_215:8 = scf.for %scan3A_584 = %scan3A_211 to %scan3A_213 step %scan3A_214 iter_args(%scan3A_585 = %broadcast_in_dim3A_196, %scan3A_586 = %broadcast_in_dim3A_198, %scan3A_587 = %broadcast_in_dim3A_200, %scan3A_588 = %broadcast_in_dim3A_202, %scan3A_589 = %broadcast_in_dim3A_204, %scan3A_590 = %broadcast_in_dim3A_206, %scan3A_591 = %broadcast_in_dim3A_208, %scan3A_592 = %broadcast_in_dim3A_210) -> (vector<16xf32>, vector<16xf32>, vector<16xf32>, vector<16xf32>, vector<16xf32>, vector<16xf32>, vector<16xf32>, vector<16xf32>)  : i32 {
        %get3A = arith.constant 0 : i32
        %get3A_593 = arith.index_cast %get3A : i32 to index
        %get3A_594 = arith.index_cast %scan3A_584 : i32 to index
        %get3A_595 = arith.constant 0 : index
        %get3A_596 = tpu.vector_load %arg6[%get3A_593, %get3A_594, %get3A_595] {strides = array<i32>} : memref<3x200x128xf32, #tpu.memory_space<vmem>>, vector<1x1x16xf32>,
        %get3A_597 = vector.shape_cast %get3A_596 : vector<1x1x16xf32> to vector<16xf32>
        %add3A_598 = arith.addf %scan3A_585, %get3A_597 : vector<16xf32>
        %get3A_599 = arith.constant 0 : i32
        %get3A_600 = arith.index_cast %get3A_599 : i32 to index
        %get3A_601 = arith.index_cast %scan3A_584 : i32 to index
        %get3A_602 = arith.constant 16 : index
        %get3A_603 = tpu.vector_load %arg6[%get3A_600, %get3A_601, %get3A_602] {strides = array<i32>} : memref<3x200x128xf32, #tpu.memory_space<vmem>>, vector<1x1x16xf32>,
        %get3A_604 = vector.shape_cast %get3A_603 : vector<1x1x16xf32> to vector<16xf32>
        %add3A_605 = arith.addf %scan3A_586, %get3A_604 : vector<16xf32>
        %get3A_606 = arith.constant 0 : i32
        %get3A_607 = arith.index_cast %get3A_606 : i32 to index
        %get3A_608 = arith.index_cast %scan3A_584 : i32 to index
        %get3A_609 = arith.constant 32 : index
        %get3A_610 = tpu.vector_load %arg6[%get3A_607, %get3A_608, %get3A_609] {strides = array<i32>} : memref<3x200x128xf32, #tpu.memory_space<vmem>>, vector<1x1x16xf32>,
        %get3A_611 = vector.shape_cast %get3A_610 : vector<1x1x16xf32> to vector<16xf32>
        %add3A_612 = arith.addf %scan3A_587, %get3A_611 : vector<16xf32>
        %get3A_613 = arith.constant 0 : i32
        %get3A_614 = arith.index_cast %get3A_613 : i32 to index
        %get3A_615 = arith.index_cast %scan3A_584 : i32 to index
        %get3A_616 = arith.constant 48 : index
        %get3A_617 = tpu.vector_load %arg6[%get3A_614, %get3A_615, %get3A_616] {strides = array<i32>} : memref<3x200x128xf32, #tpu.memory_space<vmem>>, vector<1x1x16xf32>,
        %get3A_618 = vector.shape_cast %get3A_617 : vector<1x1x16xf32> to vector<16xf32>
        %add3A_619 = arith.addf %scan3A_588, %get3A_618 : vector<16xf32>
        %get3A_620 = arith.constant 0 : i32
        %get3A_621 = arith.index_cast %get3A_620 : i32 to index
        %get3A_622 = arith.index_cast %scan3A_584 : i32 to index
        %get3A_623 = arith.constant 64 : index
        %get3A_624 = tpu.vector_load %arg6[%get3A_621, %get3A_622, %get3A_623] {strides = array<i32>} : memref<3x200x128xf32, #tpu.memory_space<vmem>>, vector<1x1x16xf32>,
        %get3A_625 = vector.shape_cast %get3A_624 : vector<1x1x16xf32> to vector<16xf32>
        %add3A_626 = arith.addf %scan3A_589, %get3A_625 : vector<16xf32>
        %get3A_627 = arith.constant 0 : i32
        %get3A_628 = arith.index_cast %get3A_627 : i32 to index
        %get3A_629 = arith.index_cast %scan3A_584 : i32 to index
        %get3A_630 = arith.constant 80 : index
        %get3A_631 = tpu.vector_load %arg6[%get3A_628, %get3A_629, %get3A_630] {strides = array<i32>} : memref<3x200x128xf32, #tpu.memory_space<vmem>>, vector<1x1x16xf32>,
        %get3A_632 = vector.shape_cast %get3A_631 : vector<1x1x16xf32> to vector<16xf32>
        %add3A_633 = arith.addf %scan3A_590, %get3A_632 : vector<16xf32>
        %get3A_634 = arith.constant 0 : i32
        %get3A_635 = arith.index_cast %get3A_634 : i32 to index
        %get3A_636 = arith.index_cast %scan3A_584 : i32 to index
        %get3A_637 = arith.constant 96 : index
        %get3A_638 = tpu.vector_load %arg6[%get3A_635, %get3A_636, %get3A_637] {strides = array<i32>} : memref<3x200x128xf32, #tpu.memory_space<vmem>>, vector<1x1x16xf32>,
        %get3A_639 = vector.shape_cast %get3A_638 : vector<1x1x16xf32> to vector<16xf32>
        %add3A_640 = arith.addf %scan3A_591, %get3A_639 : vector<16xf32>
        %get3A_641 = arith.constant 0 : i32
        %get3A_642 = arith.index_cast %get3A_641 : i32 to index
        %get3A_643 = arith.index_cast %scan3A_584 : i32 to index
        %get3A_644 = arith.constant 112 : index
        %get3A_645 = tpu.vector_load %arg6[%get3A_642, %get3A_643, %get3A_644] {strides = array<i32>} : memref<3x200x128xf32, #tpu.memory_space<vmem>>, vector<1x1x16xf32>,
        %get3A_646 = vector.shape_cast %get3A_645 : vector<1x1x16xf32> to vector<16xf32>
        %add3A_647 = arith.addf %scan3A_592, %get3A_646 : vector<16xf32>
        scf.yield %add3A_598, %add3A_605, %add3A_612, %add3A_619, %add3A_626, %add3A_633, %add3A_640, %add3A_647 : vector<16xf32>, vector<16xf32>, vector<16xf32>, vector<16xf32>, vector<16xf32>, vector<16xf32>, vector<16xf32>, vector<16xf32>
      }
      %scan3A_216 = arith.constant 200 : i32
      %mul3A_217 = arith.constant 5.000000e-03 : f32
      %mul3A_218 = vector.broadcast %mul3A_217 : f32 to vector<16xf32>
      %mul3A_219 = arith.mulf %scan3A_215#0, %mul3A_218 : vector<16xf32>
      %swap3A = arith.index_cast %add3A_133 : i32 to index
      %swap3A_220 = arith.constant 0 : index
      %swap3A_221 = tpu.vector_load %arg7[%swap3A, %swap3A_220] {strides = array<i32>} : memref<128x128xf32, #tpu.memory_space<vmem>>, vector<1x16xf32>,
      %swap3A_222 = vector.shape_cast %swap3A_221 : vector<1x16xf32> to vector<16xf32>
      %swap3A_223 = vector.shape_cast %mul3A_219 : vector<16xf32> to vector<1x16xf32>
      tpu.vector_store %arg7[%swap3A, %swap3A_220], %swap3A_223 {strides = array<i32>} : memref<128x128xf32, #tpu.memory_space<vmem>>, vector<1x16xf32>,
      %mul3A_224 = arith.constant 5.000000e-03 : f32
      %mul3A_225 = vector.broadcast %mul3A_224 : f32 to vector<16xf32>
      %mul3A_226 = arith.mulf %scan3A_215#1, %mul3A_225 : vector<16xf32>
      %swap3A_227 = arith.index_cast %add3A_133 : i32 to index
      %swap3A_228 = arith.constant 16 : index
      %swap3A_229 = tpu.vector_load %arg7[%swap3A_227, %swap3A_228] {strides = array<i32>} : memref<128x128xf32, #tpu.memory_space<vmem>>, vector<1x16xf32>,
      %swap3A_230 = vector.shape_cast %swap3A_229 : vector<1x16xf32> to vector<16xf32>
      %swap3A_231 = vector.shape_cast %mul3A_226 : vector<16xf32> to vector<1x16xf32>
      tpu.vector_store %arg7[%swap3A_227, %swap3A_228], %swap3A_231 {strides = array<i32>} : memref<128x128xf32, #tpu.memory_space<vmem>>, vector<1x16xf32>,
      %mul3A_232 = arith.constant 5.000000e-03 : f32
      %mul3A_233 = vector.broadcast %mul3A_232 : f32 to vector<16xf32>
      %mul3A_234 = arith.mulf %scan3A_215#2, %mul3A_233 : vector<16xf32>
      %swap3A_235 = arith.index_cast %add3A_133 : i32 to index
      %swap3A_236 = arith.constant 32 : index
      %swap3A_237 = tpu.vector_load %arg7[%swap3A_235, %swap3A_236] {strides = array<i32>} : memref<128x128xf32, #tpu.memory_space<vmem>>, vector<1x16xf32>,
      %swap3A_238 = vector.shape_cast %swap3A_237 : vector<1x16xf32> to vector<16xf32>
      %swap3A_239 = vector.shape_cast %mul3A_234 : vector<16xf32> to vector<1x16xf32>
      tpu.vector_store %arg7[%swap3A_235, %swap3A_236], %swap3A_239 {strides = array<i32>} : memref<128x128xf32, #tpu.memory_space<vmem>>, vector<1x16xf32>,
      %mul3A_240 = arith.constant 5.000000e-03 : f32
      %mul3A_241 = vector.broadcast %mul3A_240 : f32 to vector<16xf32>
      %mul3A_242 = arith.mulf %scan3A_215#3, %mul3A_241 : vector<16xf32>
      %swap3A_243 = arith.index_cast %add3A_133 : i32 to index
      %swap3A_244 = arith.constant 48 : index
      %swap3A_245 = tpu.vector_load %arg7[%swap3A_243, %swap3A_244] {strides = array<i32>} : memref<128x128xf32, #tpu.memory_space<vmem>>, vector<1x16xf32>,
      %swap3A_246 = vector.shape_cast %swap3A_245 : vector<1x16xf32> to vector<16xf32>
      %swap3A_247 = vector.shape_cast %mul3A_242 : vector<16xf32> to vector<1x16xf32>
      tpu.vector_store %arg7[%swap3A_243, %swap3A_244], %swap3A_247 {strides = array<i32>} : memref<128x128xf32, #tpu.memory_space<vmem>>, vector<1x16xf32>,
      %mul3A_248 = arith.constant 5.000000e-03 : f32
      %mul3A_249 = vector.broadcast %mul3A_248 : f32 to vector<16xf32>
      %mul3A_250 = arith.mulf %scan3A_215#4, %mul3A_249 : vector<16xf32>
      %swap3A_251 = arith.index_cast %add3A_133 : i32 to index
      %swap3A_252 = arith.constant 64 : index
      %swap3A_253 = tpu.vector_load %arg7[%swap3A_251, %swap3A_252] {strides = array<i32>} : memref<128x128xf32, #tpu.memory_space<vmem>>, vector<1x16xf32>,
      %swap3A_254 = vector.shape_cast %swap3A_253 : vector<1x16xf32> to vector<16xf32>
      %swap3A_255 = vector.shape_cast %mul3A_250 : vector<16xf32> to vector<1x16xf32>
      tpu.vector_store %arg7[%swap3A_251, %swap3A_252], %swap3A_255 {strides = array<i32>} : memref<128x128xf32, #tpu.memory_space<vmem>>, vector<1x16xf32>,
      %mul3A_256 = arith.constant 5.000000e-03 : f32
      %mul3A_257 = vector.broadcast %mul3A_256 : f32 to vector<16xf32>
      %mul3A_258 = arith.mulf %scan3A_215#5, %mul3A_257 : vector<16xf32>
      %swap3A_259 = arith.index_cast %add3A_133 : i32 to index
      %swap3A_260 = arith.constant 80 : index
      %swap3A_261 = tpu.vector_load %arg7[%swap3A_259, %swap3A_260] {strides = array<i32>} : memref<128x128xf32, #tpu.memory_space<vmem>>, vector<1x16xf32>,
      %swap3A_262 = vector.shape_cast %swap3A_261 : vector<1x16xf32> to vector<16xf32>
      %swap3A_263 = vector.shape_cast %mul3A_258 : vector<16xf32> to vector<1x16xf32>
      tpu.vector_store %arg7[%swap3A_259, %swap3A_260], %swap3A_263 {strides = array<i32>} : memref<128x128xf32, #tpu.memory_space<vmem>>, vector<1x16xf32>,
      %mul3A_264 = arith.constant 5.000000e-03 : f32
      %mul3A_265 = vector.broadcast %mul3A_264 : f32 to vector<16xf32>
      %mul3A_266 = arith.mulf %scan3A_215#6, %mul3A_265 : vector<16xf32>
      %swap3A_267 = arith.index_cast %add3A_133 : i32 to index
      %swap3A_268 = arith.constant 96 : index
      %swap3A_269 = tpu.vector_load %arg7[%swap3A_267, %swap3A_268] {strides = array<i32>} : memref<128x128xf32, #tpu.memory_space<vmem>>, vector<1x16xf32>,
      %swap3A_270 = vector.shape_cast %swap3A_269 : vector<1x16xf32> to vector<16xf32>
      %swap3A_271 = vector.shape_cast %mul3A_266 : vector<16xf32> to vector<1x16xf32>
      tpu.vector_store %arg7[%swap3A_267, %swap3A_268], %swap3A_271 {strides = array<i32>} : memref<128x128xf32, #tpu.memory_space<vmem>>, vector<1x16xf32>,
      %mul3A_272 = arith.constant 5.000000e-03 : f32
      %mul3A_273 = vector.broadcast %mul3A_272 : f32 to vector<16xf32>
      %mul3A_274 = arith.mulf %scan3A_215#7, %mul3A_273 : vector<16xf32>
      %swap3A_275 = arith.index_cast %add3A_133 : i32 to index
      %swap3A_276 = arith.constant 112 : index
      %swap3A_277 = tpu.vector_load %arg7[%swap3A_275, %swap3A_276] {strides = array<i32>} : memref<128x128xf32, #tpu.memory_space<vmem>>, vector<1x16xf32>,
      %swap3A_278 = vector.shape_cast %swap3A_277 : vector<1x16xf32> to vector<16xf32>
      %swap3A_279 = vector.shape_cast %mul3A_274 : vector<16xf32> to vector<1x16xf32>
      tpu.vector_store %arg7[%swap3A_275, %swap3A_276], %swap3A_279 {strides = array<i32>} : memref<128x128xf32, #tpu.memory_space<vmem>>, vector<1x16xf32>,
      %add3A_280 = arith.constant 1 : i32
      %add3A_281 = arith.addi %add3A_131, %add3A_280 : i32
      %add3A_282 = arith.constant 3 : i32
      %add3A_283 = arith.addi %add3A_281, %add3A_282 : i32
      %sub3A_284 = arith.constant 1 : i32
      %sub3A_285 = arith.subi %add3A_283, %sub3A_284 : i32
      %min3A_286 = arith.constant 127 : i32
      %min3A_287 = arith.minsi %sub3A_285, %min3A_286 : i32
      %dma_start3A_288 = arith.constant 0 : i32
      %dma_start3A_289 = arith.constant 0 : i32
      %dma_start3A_290 = arith.constant 0 : i32
      %dma_start3A_291 = arith.constant 0 : i32
      %dma_start3A_292 = tpu.memref_slice %arg6[%dma_start3A_288, %dma_start3A_290, %dma_start3A_291] : memref<3x200x128xf32, #tpu.memory_space<vmem>> -> memref<1x128x128xf32, #tpu.memory_space<vmem>>
      %dma_start3A_293 = tpu.memref_squeeze %dma_start3A_292 : memref<1x128x128xf32, #tpu.memory_space<vmem>> -> memref<128x128xf32, #tpu.memory_space<vmem>>
      %dma_start3A_294 = arith.constant 0 : i32
      %dma_start3A_295 = tpu.memref_slice %arg5[%min3A_287, %dma_start3A_294] : memref<128x200xi32, #tpu.memory_space<vmem>> -> memref<1x128xi32, #tpu.memory_space<vmem>>
      %dma_start3A_296 = tpu.memref_squeeze %dma_start3A_295 : memref<1x128xi32, #tpu.memory_space<vmem>> -> memref<128xi32, #tpu.memory_space<vmem>>
      %dma_start3A_297 = arith.constant 0 : i32
      %dma_start3A_298 = arith.constant 0 : i32
      %dma_start3A_299 = tpu.memref_slice %arg3[%dma_start3A_297, %dma_start3A_298] : memref<100000x128xf32, #tpu.memory_space<hbm>> -> memref<100000x128xf32, #tpu.memory_space<hbm>>
      %dma_start3A_300 = tpu.memref_slice %arg8[%dma_start3A_289] : memref<3x!tpu.dma_semaphore, #tpu.memory_space<semaphore_mem>> -> memref<1x!tpu.dma_semaphore, #tpu.memory_space<semaphore_mem>>
      %dma_start3A_301 = tpu.memref_squeeze %dma_start3A_300 : memref<1x!tpu.dma_semaphore, #tpu.memory_space<semaphore_mem>> -> memref<!tpu.dma_semaphore, #tpu.memory_space<semaphore_mem>>
      tpu.enqueue_indirect_dma source(%dma_start3A_299 : memref<100000x128xf32, #tpu.memory_space<hbm>>) target(%dma_start3A_293 : memref<128x128xf32, #tpu.memory_space<vmem>>) offsets(%dma_start3A_296 : memref<128xi32, #tpu.memory_space<vmem>>) semaphore(%dma_start3A_301 : memref<!tpu.dma_semaphore, #tpu.memory_space<semaphore_mem>>)
      %dma_start3A_302 = arith.constant 0 : i32
      %dma_start3A_303 = arith.constant 0 : i32
      %dma_start3A_304 = arith.constant 128 : i32
      %dma_start3A_305 = arith.constant 0 : i32
      %dma_start3A_306 = tpu.memref_slice %arg6[%dma_start3A_302, %dma_start3A_304, %dma_start3A_305] : memref<3x200x128xf32, #tpu.memory_space<vmem>> -> memref<1x72x128xf32, #tpu.memory_space<vmem>>
      %dma_start3A_307 = tpu.memref_squeeze %dma_start3A_306 : memref<1x72x128xf32, #tpu.memory_space<vmem>> -> memref<72x128xf32, #tpu.memory_space<vmem>>
      %dma_start3A_308 = arith.constant 128 : i32
      %dma_start3A_309 = tpu.memref_slice %arg5[%min3A_287, %dma_start3A_308] : memref<128x200xi32, #tpu.memory_space<vmem>> -> memref<1x72xi32, #tpu.memory_space<vmem>>
      %dma_start3A_310 = tpu.memref_squeeze %dma_start3A_309 : memref<1x72xi32, #tpu.memory_space<vmem>> -> memref<72xi32, #tpu.memory_space<vmem>>
      %dma_start3A_311 = arith.constant 0 : i32
      %dma_start3A_312 = arith.constant 0 : i32
      %dma_start3A_313 = tpu.memref_slice %arg3[%dma_start3A_311, %dma_start3A_312] : memref<100000x128xf32, #tpu.memory_space<hbm>> -> memref<100000x128xf32, #tpu.memory_space<hbm>>
      %dma_start3A_314 = tpu.memref_slice %arg8[%dma_start3A_303] : memref<3x!tpu.dma_semaphore, #tpu.memory_space<semaphore_mem>> -> memref<1x!tpu.dma_semaphore, #tpu.memory_space<semaphore_mem>>
      %dma_start3A_315 = tpu.memref_squeeze %dma_start3A_314 : memref<1x!tpu.dma_semaphore, #tpu.memory_space<semaphore_mem>> -> memref<!tpu.dma_semaphore, #tpu.memory_space<semaphore_mem>>
      tpu.enqueue_indirect_dma source(%dma_start3A_313 : memref<100000x128xf32, #tpu.memory_space<hbm>>) target(%dma_start3A_307 : memref<72x128xf32, #tpu.memory_space<vmem>>) offsets(%dma_start3A_310 : memref<72xi32, #tpu.memory_space<vmem>>) semaphore(%dma_start3A_315 : memref<!tpu.dma_semaphore, #tpu.memory_space<semaphore_mem>>)
      %dma_wait3A_316 = arith.constant 0 : i32
      %dma_wait3A_317 = arith.constant 1 : i32
      %dma_wait3A_318 = arith.constant 1 : i32
      %dma_wait3A_319 = arith.constant 0 : i32
      %dma_wait3A_320 = arith.constant 0 : i32
      %dma_wait3A_321 = tpu.memref_slice %arg6[%dma_wait3A_317, %dma_wait3A_319, %dma_wait3A_320] : memref<3x200x128xf32, #tpu.memory_space<vmem>> -> memref<1x128x128xf32, #tpu.memory_space<vmem>>
      %dma_wait3A_322 = tpu.memref_squeeze %dma_wait3A_321 : memref<1x128x128xf32, #tpu.memory_space<vmem>> -> memref<128x128xf32, #tpu.memory_space<vmem>>
      %dma_wait3A_323 = arith.constant 0 : i32
      %dma_wait3A_324 = tpu.memref_slice %arg5[%dma_wait3A_316, %dma_wait3A_323] : memref<128x200xi32, #tpu.memory_space<vmem>> -> memref<1x128xi32, #tpu.memory_space<vmem>>
      %dma_wait3A_325 = tpu.memref_squeeze %dma_wait3A_324 : memref<1x128xi32, #tpu.memory_space<vmem>> -> memref<128xi32, #tpu.memory_space<vmem>>
      %dma_wait3A_326 = arith.constant 0 : i32
      %dma_wait3A_327 = arith.constant 0 : i32
      %dma_wait3A_328 = tpu.memref_slice %arg3[%dma_wait3A_326, %dma_wait3A_327] : memref<100000x128xf32, #tpu.memory_space<hbm>> -> memref<100000x128xf32, #tpu.memory_space<hbm>>
      %dma_wait3A_329 = tpu.memref_slice %arg8[%dma_wait3A_318] : memref<3x!tpu.dma_semaphore, #tpu.memory_space<semaphore_mem>> -> memref<1x!tpu.dma_semaphore, #tpu.memory_space<semaphore_mem>>
      %dma_wait3A_330 = tpu.memref_squeeze %dma_wait3A_329 : memref<1x!tpu.dma_semaphore, #tpu.memory_space<semaphore_mem>> -> memref<!tpu.dma_semaphore, #tpu.memory_space<semaphore_mem>>
      tpu.wait_indirect_dma semaphore(%dma_wait3A_330 : memref<!tpu.dma_semaphore, #tpu.memory_space<semaphore_mem>>) src(%dma_wait3A_328 : memref<100000x128xf32, #tpu.memory_space<hbm>>) dst(%dma_wait3A_322 : memref<128x128xf32, #tpu.memory_space<vmem>>)
      %dma_wait3A_331 = arith.constant 0 : i32
      %dma_wait3A_332 = arith.constant 1 : i32
      %dma_wait3A_333 = arith.constant 1 : i32
      %dma_wait3A_334 = arith.constant 128 : i32
      %dma_wait3A_335 = arith.constant 0 : i32
      %dma_wait3A_336 = tpu.memref_slice %arg6[%dma_wait3A_332, %dma_wait3A_334, %dma_wait3A_335] : memref<3x200x128xf32, #tpu.memory_space<vmem>> -> memref<1x72x128xf32, #tpu.memory_space<vmem>>
      %dma_wait3A_337 = tpu.memref_squeeze %dma_wait3A_336 : memref<1x72x128xf32, #tpu.memory_space<vmem>> -> memref<72x128xf32, #tpu.memory_space<vmem>>
      %dma_wait3A_338 = arith.constant 128 : i32
      %dma_wait3A_339 = tpu.memref_slice %arg5[%dma_wait3A_331, %dma_wait3A_338] : memref<128x200xi32, #tpu.memory_space<vmem>> -> memref<1x72xi32, #tpu.memory_space<vmem>>
      %dma_wait3A_340 = tpu.memref_squeeze %dma_wait3A_339 : memref<1x72xi32, #tpu.memory_space<vmem>> -> memref<72xi32, #tpu.memory_space<vmem>>
      %dma_wait3A_341 = arith.constant 0 : i32
      %dma_wait3A_342 = arith.constant 0 : i32
      %dma_wait3A_343 = tpu.memref_slice %arg3[%dma_wait3A_341, %dma_wait3A_342] : memref<100000x128xf32, #tpu.memory_space<hbm>> -> memref<100000x128xf32, #tpu.memory_space<hbm>>
      %dma_wait3A_344 = tpu.memref_slice %arg8[%dma_wait3A_333] : memref<3x!tpu.dma_semaphore, #tpu.memory_space<semaphore_mem>> -> memref<1x!tpu.dma_semaphore, #tpu.memory_space<semaphore_mem>>
      %dma_wait3A_345 = tpu.memref_squeeze %dma_wait3A_344 : memref<1x!tpu.dma_semaphore, #tpu.memory_space<semaphore_mem>> -> memref<!tpu.dma_semaphore, #tpu.memory_space<semaphore_mem>>
      tpu.wait_indirect_dma semaphore(%dma_wait3A_345 : memref<!tpu.dma_semaphore, #tpu.memory_space<semaphore_mem>>) src(%dma_wait3A_343 : memref<100000x128xf32, #tpu.memory_space<hbm>>) dst(%dma_wait3A_337 : memref<72x128xf32, #tpu.memory_space<vmem>>)
      %broadcast_in_dim3A_346 = arith.constant 0.000000e+00 : f32
      %broadcast_in_dim3A_347 = vector.broadcast %broadcast_in_dim3A_346 : f32 to vector<16xf32>
      %broadcast_in_dim3A_348 = arith.constant 0.000000e+00 : f32
      %broadcast_in_dim3A_349 = vector.broadcast %broadcast_in_dim3A_348 : f32 to vector<16xf32>
      %broadcast_in_dim3A_350 = arith.constant 0.000000e+00 : f32
      %broadcast_in_dim3A_351 = vector.broadcast %broadcast_in_dim3A_350 : f32 to vector<16xf32>
      %broadcast_in_dim3A_352 = arith.constant 0.000000e+00 : f32
      %broadcast_in_dim3A_353 = vector.broadcast %broadcast_in_dim3A_352 : f32 to vector<16xf32>
      %broadcast_in_dim3A_354 = arith.constant 0.000000e+00 : f32
      %broadcast_in_dim3A_355 = vector.broadcast %broadcast_in_dim3A_354 : f32 to vector<16xf32>
      %broadcast_in_dim3A_356 = arith.constant 0.000000e+00 : f32
      %broadcast_in_dim3A_357 = vector.broadcast %broadcast_in_dim3A_356 : f32 to vector<16xf32>
      %broadcast_in_dim3A_358 = arith.constant 0.000000e+00 : f32
      %broadcast_in_dim3A_359 = vector.broadcast %broadcast_in_dim3A_358 : f32 to vector<16xf32>
      %broadcast_in_dim3A_360 = arith.constant 0.000000e+00 : f32
      %broadcast_in_dim3A_361 = vector.broadcast %broadcast_in_dim3A_360 : f32 to vector<16xf32>
      %scan3A_362 = arith.constant 0 : i32
      %scan3A_363 = arith.constant 200 : i32
      %scan3A_364 = arith.addi %scan3A_362, %scan3A_363 : i32
      %scan3A_365 = arith.constant 1 : i32
      %scan3A_366:8 = scf.for %scan3A_584 = %scan3A_362 to %scan3A_364 step %scan3A_365 iter_args(%scan3A_585 = %broadcast_in_dim3A_347, %scan3A_586 = %broadcast_in_dim3A_349, %scan3A_587 = %broadcast_in_dim3A_351, %scan3A_588 = %broadcast_in_dim3A_353, %scan3A_589 = %broadcast_in_dim3A_355, %scan3A_590 = %broadcast_in_dim3A_357, %scan3A_591 = %broadcast_in_dim3A_359, %scan3A_592 = %broadcast_in_dim3A_361) -> (vector<16xf32>, vector<16xf32>, vector<16xf32>, vector<16xf32>, vector<16xf32>, vector<16xf32>, vector<16xf32>, vector<16xf32>)  : i32 {
        %get3A = arith.constant 1 : i32
        %get3A_593 = arith.index_cast %get3A : i32 to index
        %get3A_594 = arith.index_cast %scan3A_584 : i32 to index
        %get3A_595 = arith.constant 0 : index
        %get3A_596 = tpu.vector_load %arg6[%get3A_593, %get3A_594, %get3A_595] {strides = array<i32>} : memref<3x200x128xf32, #tpu.memory_space<vmem>>, vector<1x1x16xf32>,
        %get3A_597 = vector.shape_cast %get3A_596 : vector<1x1x16xf32> to vector<16xf32>
        %add3A_598 = arith.addf %scan3A_585, %get3A_597 : vector<16xf32>
        %get3A_599 = arith.constant 1 : i32
        %get3A_600 = arith.index_cast %get3A_599 : i32 to index
        %get3A_601 = arith.index_cast %scan3A_584 : i32 to index
        %get3A_602 = arith.constant 16 : index
        %get3A_603 = tpu.vector_load %arg6[%get3A_600, %get3A_601, %get3A_602] {strides = array<i32>} : memref<3x200x128xf32, #tpu.memory_space<vmem>>, vector<1x1x16xf32>,
        %get3A_604 = vector.shape_cast %get3A_603 : vector<1x1x16xf32> to vector<16xf32>
        %add3A_605 = arith.addf %scan3A_586, %get3A_604 : vector<16xf32>
        %get3A_606 = arith.constant 1 : i32
        %get3A_607 = arith.index_cast %get3A_606 : i32 to index
        %get3A_608 = arith.index_cast %scan3A_584 : i32 to index
        %get3A_609 = arith.constant 32 : index
        %get3A_610 = tpu.vector_load %arg6[%get3A_607, %get3A_608, %get3A_609] {strides = array<i32>} : memref<3x200x128xf32, #tpu.memory_space<vmem>>, vector<1x1x16xf32>,
        %get3A_611 = vector.shape_cast %get3A_610 : vector<1x1x16xf32> to vector<16xf32>
        %add3A_612 = arith.addf %scan3A_587, %get3A_611 : vector<16xf32>
        %get3A_613 = arith.constant 1 : i32
        %get3A_614 = arith.index_cast %get3A_613 : i32 to index
        %get3A_615 = arith.index_cast %scan3A_584 : i32 to index
        %get3A_616 = arith.constant 48 : index
        %get3A_617 = tpu.vector_load %arg6[%get3A_614, %get3A_615, %get3A_616] {strides = array<i32>} : memref<3x200x128xf32, #tpu.memory_space<vmem>>, vector<1x1x16xf32>,
        %get3A_618 = vector.shape_cast %get3A_617 : vector<1x1x16xf32> to vector<16xf32>
        %add3A_619 = arith.addf %scan3A_588, %get3A_618 : vector<16xf32>
        %get3A_620 = arith.constant 1 : i32
        %get3A_621 = arith.index_cast %get3A_620 : i32 to index
        %get3A_622 = arith.index_cast %scan3A_584 : i32 to index
        %get3A_623 = arith.constant 64 : index
        %get3A_624 = tpu.vector_load %arg6[%get3A_621, %get3A_622, %get3A_623] {strides = array<i32>} : memref<3x200x128xf32, #tpu.memory_space<vmem>>, vector<1x1x16xf32>,
        %get3A_625 = vector.shape_cast %get3A_624 : vector<1x1x16xf32> to vector<16xf32>
        %add3A_626 = arith.addf %scan3A_589, %get3A_625 : vector<16xf32>
        %get3A_627 = arith.constant 1 : i32
        %get3A_628 = arith.index_cast %get3A_627 : i32 to index
        %get3A_629 = arith.index_cast %scan3A_584 : i32 to index
        %get3A_630 = arith.constant 80 : index
        %get3A_631 = tpu.vector_load %arg6[%get3A_628, %get3A_629, %get3A_630] {strides = array<i32>} : memref<3x200x128xf32, #tpu.memory_space<vmem>>, vector<1x1x16xf32>,
        %get3A_632 = vector.shape_cast %get3A_631 : vector<1x1x16xf32> to vector<16xf32>
        %add3A_633 = arith.addf %scan3A_590, %get3A_632 : vector<16xf32>
        %get3A_634 = arith.constant 1 : i32
        %get3A_635 = arith.index_cast %get3A_634 : i32 to index
        %get3A_636 = arith.index_cast %scan3A_584 : i32 to index
        %get3A_637 = arith.constant 96 : index
        %get3A_638 = tpu.vector_load %arg6[%get3A_635, %get3A_636, %get3A_637] {strides = array<i32>} : memref<3x200x128xf32, #tpu.memory_space<vmem>>, vector<1x1x16xf32>,
        %get3A_639 = vector.shape_cast %get3A_638 : vector<1x1x16xf32> to vector<16xf32>
        %add3A_640 = arith.addf %scan3A_591, %get3A_639 : vector<16xf32>
        %get3A_641 = arith.constant 1 : i32
        %get3A_642 = arith.index_cast %get3A_641 : i32 to index
        %get3A_643 = arith.index_cast %scan3A_584 : i32 to index
        %get3A_644 = arith.constant 112 : index
        %get3A_645 = tpu.vector_load %arg6[%get3A_642, %get3A_643, %get3A_644] {strides = array<i32>} : memref<3x200x128xf32, #tpu.memory_space<vmem>>, vector<1x1x16xf32>,
        %get3A_646 = vector.shape_cast %get3A_645 : vector<1x1x16xf32> to vector<16xf32>
        %add3A_647 = arith.addf %scan3A_592, %get3A_646 : vector<16xf32>
        scf.yield %add3A_598, %add3A_605, %add3A_612, %add3A_619, %add3A_626, %add3A_633, %add3A_640, %add3A_647 : vector<16xf32>, vector<16xf32>, vector<16xf32>, vector<16xf32>, vector<16xf32>, vector<16xf32>, vector<16xf32>, vector<16xf32>
      }
      %scan3A_367 = arith.constant 200 : i32
      %mul3A_368 = arith.constant 5.000000e-03 : f32
      %mul3A_369 = vector.broadcast %mul3A_368 : f32 to vector<16xf32>
      %mul3A_370 = arith.mulf %scan3A_366#0, %mul3A_369 : vector<16xf32>
      %swap3A_371 = arith.index_cast %add3A_281 : i32 to index
      %swap3A_372 = arith.constant 0 : index
      %swap3A_373 = tpu.vector_load %arg7[%swap3A_371, %swap3A_372] {strides = array<i32>} : memref<128x128xf32, #tpu.memory_space<vmem>>, vector<1x16xf32>,
      %swap3A_374 = vector.shape_cast %swap3A_373 : vector<1x16xf32> to vector<16xf32>
      %swap3A_375 = vector.shape_cast %mul3A_370 : vector<16xf32> to vector<1x16xf32>
      tpu.vector_store %arg7[%swap3A_371, %swap3A_372], %swap3A_375 {strides = array<i32>} : memref<128x128xf32, #tpu.memory_space<vmem>>, vector<1x16xf32>,
      %mul3A_376 = arith.constant 5.000000e-03 : f32
      %mul3A_377 = vector.broadcast %mul3A_376 : f32 to vector<16xf32>
      %mul3A_378 = arith.mulf %scan3A_366#1, %mul3A_377 : vector<16xf32>
      %swap3A_379 = arith.index_cast %add3A_281 : i32 to index
      %swap3A_380 = arith.constant 16 : index
      %swap3A_381 = tpu.vector_load %arg7[%swap3A_379, %swap3A_380] {strides = array<i32>} : memref<128x128xf32, #tpu.memory_space<vmem>>, vector<1x16xf32>,
      %swap3A_382 = vector.shape_cast %swap3A_381 : vector<1x16xf32> to vector<16xf32>
      %swap3A_383 = vector.shape_cast %mul3A_378 : vector<16xf32> to vector<1x16xf32>
      tpu.vector_store %arg7[%swap3A_379, %swap3A_380], %swap3A_383 {strides = array<i32>} : memref<128x128xf32, #tpu.memory_space<vmem>>, vector<1x16xf32>,
      %mul3A_384 = arith.constant 5.000000e-03 : f32
      %mul3A_385 = vector.broadcast %mul3A_384 : f32 to vector<16xf32>
      %mul3A_386 = arith.mulf %scan3A_366#2, %mul3A_385 : vector<16xf32>
      %swap3A_387 = arith.index_cast %add3A_281 : i32 to index
      %swap3A_388 = arith.constant 32 : index
      %swap3A_389 = tpu.vector_load %arg7[%swap3A_387, %swap3A_388] {strides = array<i32>} : memref<128x128xf32, #tpu.memory_space<vmem>>, vector<1x16xf32>,
      %swap3A_390 = vector.shape_cast %swap3A_389 : vector<1x16xf32> to vector<16xf32>
      %swap3A_391 = vector.shape_cast %mul3A_386 : vector<16xf32> to vector<1x16xf32>
      tpu.vector_store %arg7[%swap3A_387, %swap3A_388], %swap3A_391 {strides = array<i32>} : memref<128x128xf32, #tpu.memory_space<vmem>>, vector<1x16xf32>,
      %mul3A_392 = arith.constant 5.000000e-03 : f32
      %mul3A_393 = vector.broadcast %mul3A_392 : f32 to vector<16xf32>
      %mul3A_394 = arith.mulf %scan3A_366#3, %mul3A_393 : vector<16xf32>
      %swap3A_395 = arith.index_cast %add3A_281 : i32 to index
      %swap3A_396 = arith.constant 48 : index
      %swap3A_397 = tpu.vector_load %arg7[%swap3A_395, %swap3A_396] {strides = array<i32>} : memref<128x128xf32, #tpu.memory_space<vmem>>, vector<1x16xf32>,
      %swap3A_398 = vector.shape_cast %swap3A_397 : vector<1x16xf32> to vector<16xf32>
      %swap3A_399 = vector.shape_cast %mul3A_394 : vector<16xf32> to vector<1x16xf32>
      tpu.vector_store %arg7[%swap3A_395, %swap3A_396], %swap3A_399 {strides = array<i32>} : memref<128x128xf32, #tpu.memory_space<vmem>>, vector<1x16xf32>,
      %mul3A_400 = arith.constant 5.000000e-03 : f32
      %mul3A_401 = vector.broadcast %mul3A_400 : f32 to vector<16xf32>
      %mul3A_402 = arith.mulf %scan3A_366#4, %mul3A_401 : vector<16xf32>
      %swap3A_403 = arith.index_cast %add3A_281 : i32 to index
      %swap3A_404 = arith.constant 64 : index
      %swap3A_405 = tpu.vector_load %arg7[%swap3A_403, %swap3A_404] {strides = array<i32>} : memref<128x128xf32, #tpu.memory_space<vmem>>, vector<1x16xf32>,
      %swap3A_406 = vector.shape_cast %swap3A_405 : vector<1x16xf32> to vector<16xf32>
      %swap3A_407 = vector.shape_cast %mul3A_402 : vector<16xf32> to vector<1x16xf32>
      tpu.vector_store %arg7[%swap3A_403, %swap3A_404], %swap3A_407 {strides = array<i32>} : memref<128x128xf32, #tpu.memory_space<vmem>>, vector<1x16xf32>,
      %mul3A_408 = arith.constant 5.000000e-03 : f32
      %mul3A_409 = vector.broadcast %mul3A_408 : f32 to vector<16xf32>
      %mul3A_410 = arith.mulf %scan3A_366#5, %mul3A_409 : vector<16xf32>
      %swap3A_411 = arith.index_cast %add3A_281 : i32 to index
      %swap3A_412 = arith.constant 80 : index
      %swap3A_413 = tpu.vector_load %arg7[%swap3A_411, %swap3A_412] {strides = array<i32>} : memref<128x128xf32, #tpu.memory_space<vmem>>, vector<1x16xf32>,
      %swap3A_414 = vector.shape_cast %swap3A_413 : vector<1x16xf32> to vector<16xf32>
      %swap3A_415 = vector.shape_cast %mul3A_410 : vector<16xf32> to vector<1x16xf32>
      tpu.vector_store %arg7[%swap3A_411, %swap3A_412], %swap3A_415 {strides = array<i32>} : memref<128x128xf32, #tpu.memory_space<vmem>>, vector<1x16xf32>,
      %mul3A_416 = arith.constant 5.000000e-03 : f32
      %mul3A_417 = vector.broadcast %mul3A_416 : f32 to vector<16xf32>
      %mul3A_418 = arith.mulf %scan3A_366#6, %mul3A_417 : vector<16xf32>
      %swap3A_419 = arith.index_cast %add3A_281 : i32 to index
      %swap3A_420 = arith.constant 96 : index
      %swap3A_421 = tpu.vector_load %arg7[%swap3A_419, %swap3A_420] {strides = array<i32>} : memref<128x128xf32, #tpu.memory_space<vmem>>, vector<1x16xf32>,
      %swap3A_422 = vector.shape_cast %swap3A_421 : vector<1x16xf32> to vector<16xf32>
      %swap3A_423 = vector.shape_cast %mul3A_418 : vector<16xf32> to vector<1x16xf32>
      tpu.vector_store %arg7[%swap3A_419, %swap3A_420], %swap3A_423 {strides = array<i32>} : memref<128x128xf32, #tpu.memory_space<vmem>>, vector<1x16xf32>,
      %mul3A_424 = arith.constant 5.000000e-03 : f32
      %mul3A_425 = vector.broadcast %mul3A_424 : f32 to vector<16xf32>
      %mul3A_426 = arith.mulf %scan3A_366#7, %mul3A_425 : vector<16xf32>
      %swap3A_427 = arith.index_cast %add3A_281 : i32 to index
      %swap3A_428 = arith.constant 112 : index
      %swap3A_429 = tpu.vector_load %arg7[%swap3A_427, %swap3A_428] {strides = array<i32>} : memref<128x128xf32, #tpu.memory_space<vmem>>, vector<1x16xf32>,
      %swap3A_430 = vector.shape_cast %swap3A_429 : vector<1x16xf32> to vector<16xf32>
      %swap3A_431 = vector.shape_cast %mul3A_426 : vector<16xf32> to vector<1x16xf32>
      tpu.vector_store %arg7[%swap3A_427, %swap3A_428], %swap3A_431 {strides = array<i32>} : memref<128x128xf32, #tpu.memory_space<vmem>>, vector<1x16xf32>,
      %add3A_432 = arith.constant 2 : i32
      %add3A_433 = arith.addi %add3A_131, %add3A_432 : i32
      %add3A_434 = arith.constant 3 : i32
      %add3A_435 = arith.addi %add3A_433, %add3A_434 : i32
      %sub3A_436 = arith.constant 1 : i32
      %sub3A_437 = arith.subi %add3A_435, %sub3A_436 : i32
      %min3A_438 = arith.constant 127 : i32
      %min3A_439 = arith.minsi %sub3A_437, %min3A_438 : i32
      %dma_start3A_440 = arith.constant 1 : i32
      %dma_start3A_441 = arith.constant 1 : i32
      %dma_start3A_442 = arith.constant 0 : i32
      %dma_start3A_443 = arith.constant 0 : i32
      %dma_start3A_444 = tpu.memref_slice %arg6[%dma_start3A_440, %dma_start3A_442, %dma_start3A_443] : memref<3x200x128xf32, #tpu.memory_space<vmem>> -> memref<1x128x128xf32, #tpu.memory_space<vmem>>
      %dma_start3A_445 = tpu.memref_squeeze %dma_start3A_444 : memref<1x128x128xf32, #tpu.memory_space<vmem>> -> memref<128x128xf32, #tpu.memory_space<vmem>>
      %dma_start3A_446 = arith.constant 0 : i32
      %dma_start3A_447 = tpu.memref_slice %arg5[%min3A_439, %dma_start3A_446] : memref<128x200xi32, #tpu.memory_space<vmem>> -> memref<1x128xi32, #tpu.memory_space<vmem>>
      %dma_start3A_448 = tpu.memref_squeeze %dma_start3A_447 : memref<1x128xi32, #tpu.memory_space<vmem>> -> memref<128xi32, #tpu.memory_space<vmem>>
      %dma_start3A_449 = arith.constant 0 : i32
      %dma_start3A_450 = arith.constant 0 : i32
      %dma_start3A_451 = tpu.memref_slice %arg3[%dma_start3A_449, %dma_start3A_450] : memref<100000x128xf32, #tpu.memory_space<hbm>> -> memref<100000x128xf32, #tpu.memory_space<hbm>>
      %dma_start3A_452 = tpu.memref_slice %arg8[%dma_start3A_441] : memref<3x!tpu.dma_semaphore, #tpu.memory_space<semaphore_mem>> -> memref<1x!tpu.dma_semaphore, #tpu.memory_space<semaphore_mem>>
      %dma_start3A_453 = tpu.memref_squeeze %dma_start3A_452 : memref<1x!tpu.dma_semaphore, #tpu.memory_space<semaphore_mem>> -> memref<!tpu.dma_semaphore, #tpu.memory_space<semaphore_mem>>
      tpu.enqueue_indirect_dma source(%dma_start3A_451 : memref<100000x128xf32, #tpu.memory_space<hbm>>) target(%dma_start3A_445 : memref<128x128xf32, #tpu.memory_space<vmem>>) offsets(%dma_start3A_448 : memref<128xi32, #tpu.memory_space<vmem>>) semaphore(%dma_start3A_453 : memref<!tpu.dma_semaphore, #tpu.memory_space<semaphore_mem>>)
      %dma_start3A_454 = arith.constant 1 : i32
      %dma_start3A_455 = arith.constant 1 : i32
      %dma_start3A_456 = arith.constant 128 : i32
      %dma_start3A_457 = arith.constant 0 : i32
      %dma_start3A_458 = tpu.memref_slice %arg6[%dma_start3A_454, %dma_start3A_456, %dma_start3A_457] : memref<3x200x128xf32, #tpu.memory_space<vmem>> -> memref<1x72x128xf32, #tpu.memory_space<vmem>>
      %dma_start3A_459 = tpu.memref_squeeze %dma_start3A_458 : memref<1x72x128xf32, #tpu.memory_space<vmem>> -> memref<72x128xf32, #tpu.memory_space<vmem>>
      %dma_start3A_460 = arith.constant 128 : i32
      %dma_start3A_461 = tpu.memref_slice %arg5[%min3A_439, %dma_start3A_460] : memref<128x200xi32, #tpu.memory_space<vmem>> -> memref<1x72xi32, #tpu.memory_space<vmem>>
      %dma_start3A_462 = tpu.memref_squeeze %dma_start3A_461 : memref<1x72xi32, #tpu.memory_space<vmem>> -> memref<72xi32, #tpu.memory_space<vmem>>
      %dma_start3A_463 = arith.constant 0 : i32
      %dma_start3A_464 = arith.constant 0 : i32
      %dma_start3A_465 = tpu.memref_slice %arg3[%dma_start3A_463, %dma_start3A_464] : memref<100000x128xf32, #tpu.memory_space<hbm>> -> memref<100000x128xf32, #tpu.memory_space<hbm>>
      %dma_start3A_466 = tpu.memref_slice %arg8[%dma_start3A_455] : memref<3x!tpu.dma_semaphore, #tpu.memory_space<semaphore_mem>> -> memref<1x!tpu.dma_semaphore, #tpu.memory_space<semaphore_mem>>
      %dma_start3A_467 = tpu.memref_squeeze %dma_start3A_466 : memref<1x!tpu.dma_semaphore, #tpu.memory_space<semaphore_mem>> -> memref<!tpu.dma_semaphore, #tpu.memory_space<semaphore_mem>>
      tpu.enqueue_indirect_dma source(%dma_start3A_465 : memref<100000x128xf32, #tpu.memory_space<hbm>>) target(%dma_start3A_459 : memref<72x128xf32, #tpu.memory_space<vmem>>) offsets(%dma_start3A_462 : memref<72xi32, #tpu.memory_space<vmem>>) semaphore(%dma_start3A_467 : memref<!tpu.dma_semaphore, #tpu.memory_space<semaphore_mem>>)
      %dma_wait3A_468 = arith.constant 0 : i32
      %dma_wait3A_469 = arith.constant 2 : i32
      %dma_wait3A_470 = arith.constant 2 : i32
      %dma_wait3A_471 = arith.constant 0 : i32
      %dma_wait3A_472 = arith.constant 0 : i32
      %dma_wait3A_473 = tpu.memref_slice %arg6[%dma_wait3A_469, %dma_wait3A_471, %dma_wait3A_472] : memref<3x200x128xf32, #tpu.memory_space<vmem>> -> memref<1x128x128xf32, #tpu.memory_space<vmem>>
      %dma_wait3A_474 = tpu.memref_squeeze %dma_wait3A_473 : memref<1x128x128xf32, #tpu.memory_space<vmem>> -> memref<128x128xf32, #tpu.memory_space<vmem>>
      %dma_wait3A_475 = arith.constant 0 : i32
      %dma_wait3A_476 = tpu.memref_slice %arg5[%dma_wait3A_468, %dma_wait3A_475] : memref<128x200xi32, #tpu.memory_space<vmem>> -> memref<1x128xi32, #tpu.memory_space<vmem>>
      %dma_wait3A_477 = tpu.memref_squeeze %dma_wait3A_476 : memref<1x128xi32, #tpu.memory_space<vmem>> -> memref<128xi32, #tpu.memory_space<vmem>>
      %dma_wait3A_478 = arith.constant 0 : i32
      %dma_wait3A_479 = arith.constant 0 : i32
      %dma_wait3A_480 = tpu.memref_slice %arg3[%dma_wait3A_478, %dma_wait3A_479] : memref<100000x128xf32, #tpu.memory_space<hbm>> -> memref<100000x128xf32, #tpu.memory_space<hbm>>
      %dma_wait3A_481 = tpu.memref_slice %arg8[%dma_wait3A_470] : memref<3x!tpu.dma_semaphore, #tpu.memory_space<semaphore_mem>> -> memref<1x!tpu.dma_semaphore, #tpu.memory_space<semaphore_mem>>
      %dma_wait3A_482 = tpu.memref_squeeze %dma_wait3A_481 : memref<1x!tpu.dma_semaphore, #tpu.memory_space<semaphore_mem>> -> memref<!tpu.dma_semaphore, #tpu.memory_space<semaphore_mem>>
      tpu.wait_indirect_dma semaphore(%dma_wait3A_482 : memref<!tpu.dma_semaphore, #tpu.memory_space<semaphore_mem>>) src(%dma_wait3A_480 : memref<100000x128xf32, #tpu.memory_space<hbm>>) dst(%dma_wait3A_474 : memref<128x128xf32, #tpu.memory_space<vmem>>)
      %dma_wait3A_483 = arith.constant 0 : i32
      %dma_wait3A_484 = arith.constant 2 : i32
      %dma_wait3A_485 = arith.constant 2 : i32
      %dma_wait3A_486 = arith.constant 128 : i32
      %dma_wait3A_487 = arith.constant 0 : i32
      %dma_wait3A_488 = tpu.memref_slice %arg6[%dma_wait3A_484, %dma_wait3A_486, %dma_wait3A_487] : memref<3x200x128xf32, #tpu.memory_space<vmem>> -> memref<1x72x128xf32, #tpu.memory_space<vmem>>
      %dma_wait3A_489 = tpu.memref_squeeze %dma_wait3A_488 : memref<1x72x128xf32, #tpu.memory_space<vmem>> -> memref<72x128xf32, #tpu.memory_space<vmem>>
      %dma_wait3A_490 = arith.constant 128 : i32
      %dma_wait3A_491 = tpu.memref_slice %arg5[%dma_wait3A_483, %dma_wait3A_490] : memref<128x200xi32, #tpu.memory_space<vmem>> -> memref<1x72xi32, #tpu.memory_space<vmem>>
      %dma_wait3A_492 = tpu.memref_squeeze %dma_wait3A_491 : memref<1x72xi32, #tpu.memory_space<vmem>> -> memref<72xi32, #tpu.memory_space<vmem>>
      %dma_wait3A_493 = arith.constant 0 : i32
      %dma_wait3A_494 = arith.constant 0 : i32
      %dma_wait3A_495 = tpu.memref_slice %arg3[%dma_wait3A_493, %dma_wait3A_494] : memref<100000x128xf32, #tpu.memory_space<hbm>> -> memref<100000x128xf32, #tpu.memory_space<hbm>>
      %dma_wait3A_496 = tpu.memref_slice %arg8[%dma_wait3A_485] : memref<3x!tpu.dma_semaphore, #tpu.memory_space<semaphore_mem>> -> memref<1x!tpu.dma_semaphore, #tpu.memory_space<semaphore_mem>>
      %dma_wait3A_497 = tpu.memref_squeeze %dma_wait3A_496 : memref<1x!tpu.dma_semaphore, #tpu.memory_space<semaphore_mem>> -> memref<!tpu.dma_semaphore, #tpu.memory_space<semaphore_mem>>
      tpu.wait_indirect_dma semaphore(%dma_wait3A_497 : memref<!tpu.dma_semaphore, #tpu.memory_space<semaphore_mem>>) src(%dma_wait3A_495 : memref<100000x128xf32, #tpu.memory_space<hbm>>) dst(%dma_wait3A_489 : memref<72x128xf32, #tpu.memory_space<vmem>>)
      %broadcast_in_dim3A_498 = arith.constant 0.000000e+00 : f32
      %broadcast_in_dim3A_499 = vector.broadcast %broadcast_in_dim3A_498 : f32 to vector<16xf32>
      %broadcast_in_dim3A_500 = arith.constant 0.000000e+00 : f32
      %broadcast_in_dim3A_501 = vector.broadcast %broadcast_in_dim3A_500 : f32 to vector<16xf32>
      %broadcast_in_dim3A_502 = arith.constant 0.000000e+00 : f32
      %broadcast_in_dim3A_503 = vector.broadcast %broadcast_in_dim3A_502 : f32 to vector<16xf32>
      %broadcast_in_dim3A_504 = arith.constant 0.000000e+00 : f32
      %broadcast_in_dim3A_505 = vector.broadcast %broadcast_in_dim3A_504 : f32 to vector<16xf32>
      %broadcast_in_dim3A_506 = arith.constant 0.000000e+00 : f32
      %broadcast_in_dim3A_507 = vector.broadcast %broadcast_in_dim3A_506 : f32 to vector<16xf32>
      %broadcast_in_dim3A_508 = arith.constant 0.000000e+00 : f32
      %broadcast_in_dim3A_509 = vector.broadcast %broadcast_in_dim3A_508 : f32 to vector<16xf32>
      %broadcast_in_dim3A_510 = arith.constant 0.000000e+00 : f32
      %broadcast_in_dim3A_511 = vector.broadcast %broadcast_in_dim3A_510 : f32 to vector<16xf32>
      %broadcast_in_dim3A_512 = arith.constant 0.000000e+00 : f32
      %broadcast_in_dim3A_513 = vector.broadcast %broadcast_in_dim3A_512 : f32 to vector<16xf32>
      %scan3A_514 = arith.constant 0 : i32
      %scan3A_515 = arith.constant 200 : i32
      %scan3A_516 = arith.addi %scan3A_514, %scan3A_515 : i32
      %scan3A_517 = arith.constant 1 : i32
      %scan3A_518:8 = scf.for %scan3A_584 = %scan3A_514 to %scan3A_516 step %scan3A_517 iter_args(%scan3A_585 = %broadcast_in_dim3A_499, %scan3A_586 = %broadcast_in_dim3A_501, %scan3A_587 = %broadcast_in_dim3A_503, %scan3A_588 = %broadcast_in_dim3A_505, %scan3A_589 = %broadcast_in_dim3A_507, %scan3A_590 = %broadcast_in_dim3A_509, %scan3A_591 = %broadcast_in_dim3A_511, %scan3A_592 = %broadcast_in_dim3A_513) -> (vector<16xf32>, vector<16xf32>, vector<16xf32>, vector<16xf32>, vector<16xf32>, vector<16xf32>, vector<16xf32>, vector<16xf32>)  : i32 {
        %get3A = arith.constant 2 : i32
        %get3A_593 = arith.index_cast %get3A : i32 to index
        %get3A_594 = arith.index_cast %scan3A_584 : i32 to index
        %get3A_595 = arith.constant 0 : index
        %get3A_596 = tpu.vector_load %arg6[%get3A_593, %get3A_594, %get3A_595] {strides = array<i32>} : memref<3x200x128xf32, #tpu.memory_space<vmem>>, vector<1x1x16xf32>,
        %get3A_597 = vector.shape_cast %get3A_596 : vector<1x1x16xf32> to vector<16xf32>
        %add3A_598 = arith.addf %scan3A_585, %get3A_597 : vector<16xf32>
        %get3A_599 = arith.constant 2 : i32
        %get3A_600 = arith.index_cast %get3A_599 : i32 to index
        %get3A_601 = arith.index_cast %scan3A_584 : i32 to index
        %get3A_602 = arith.constant 16 : index
        %get3A_603 = tpu.vector_load %arg6[%get3A_600, %get3A_601, %get3A_602] {strides = array<i32>} : memref<3x200x128xf32, #tpu.memory_space<vmem>>, vector<1x1x16xf32>,
        %get3A_604 = vector.shape_cast %get3A_603 : vector<1x1x16xf32> to vector<16xf32>
        %add3A_605 = arith.addf %scan3A_586, %get3A_604 : vector<16xf32>
        %get3A_606 = arith.constant 2 : i32
        %get3A_607 = arith.index_cast %get3A_606 : i32 to index
        %get3A_608 = arith.index_cast %scan3A_584 : i32 to index
        %get3A_609 = arith.constant 32 : index
        %get3A_610 = tpu.vector_load %arg6[%get3A_607, %get3A_608, %get3A_609] {strides = array<i32>} : memref<3x200x128xf32, #tpu.memory_space<vmem>>, vector<1x1x16xf32>,
        %get3A_611 = vector.shape_cast %get3A_610 : vector<1x1x16xf32> to vector<16xf32>
        %add3A_612 = arith.addf %scan3A_587, %get3A_611 : vector<16xf32>
        %get3A_613 = arith.constant 2 : i32
        %get3A_614 = arith.index_cast %get3A_613 : i32 to index
        %get3A_615 = arith.index_cast %scan3A_584 : i32 to index
        %get3A_616 = arith.constant 48 : index
        %get3A_617 = tpu.vector_load %arg6[%get3A_614, %get3A_615, %get3A_616] {strides = array<i32>} : memref<3x200x128xf32, #tpu.memory_space<vmem>>, vector<1x1x16xf32>,
        %get3A_618 = vector.shape_cast %get3A_617 : vector<1x1x16xf32> to vector<16xf32>
        %add3A_619 = arith.addf %scan3A_588, %get3A_618 : vector<16xf32>
        %get3A_620 = arith.constant 2 : i32
        %get3A_621 = arith.index_cast %get3A_620 : i32 to index
        %get3A_622 = arith.index_cast %scan3A_584 : i32 to index
        %get3A_623 = arith.constant 64 : index
        %get3A_624 = tpu.vector_load %arg6[%get3A_621, %get3A_622, %get3A_623] {strides = array<i32>} : memref<3x200x128xf32, #tpu.memory_space<vmem>>, vector<1x1x16xf32>,
        %get3A_625 = vector.shape_cast %get3A_624 : vector<1x1x16xf32> to vector<16xf32>
        %add3A_626 = arith.addf %scan3A_589, %get3A_625 : vector<16xf32>
        %get3A_627 = arith.constant 2 : i32
        %get3A_628 = arith.index_cast %get3A_627 : i32 to index
        %get3A_629 = arith.index_cast %scan3A_584 : i32 to index
        %get3A_630 = arith.constant 80 : index
        %get3A_631 = tpu.vector_load %arg6[%get3A_628, %get3A_629, %get3A_630] {strides = array<i32>} : memref<3x200x128xf32, #tpu.memory_space<vmem>>, vector<1x1x16xf32>,
        %get3A_632 = vector.shape_cast %get3A_631 : vector<1x1x16xf32> to vector<16xf32>
        %add3A_633 = arith.addf %scan3A_590, %get3A_632 : vector<16xf32>
        %get3A_634 = arith.constant 2 : i32
        %get3A_635 = arith.index_cast %get3A_634 : i32 to index
        %get3A_636 = arith.index_cast %scan3A_584 : i32 to index
        %get3A_637 = arith.constant 96 : index
        %get3A_638 = tpu.vector_load %arg6[%get3A_635, %get3A_636, %get3A_637] {strides = array<i32>} : memref<3x200x128xf32, #tpu.memory_space<vmem>>, vector<1x1x16xf32>,
        %get3A_639 = vector.shape_cast %get3A_638 : vector<1x1x16xf32> to vector<16xf32>
        %add3A_640 = arith.addf %scan3A_591, %get3A_639 : vector<16xf32>
        %get3A_641 = arith.constant 2 : i32
        %get3A_642 = arith.index_cast %get3A_641 : i32 to index
        %get3A_643 = arith.index_cast %scan3A_584 : i32 to index
        %get3A_644 = arith.constant 112 : index
        %get3A_645 = tpu.vector_load %arg6[%get3A_642, %get3A_643, %get3A_644] {strides = array<i32>} : memref<3x200x128xf32, #tpu.memory_space<vmem>>, vector<1x1x16xf32>,
        %get3A_646 = vector.shape_cast %get3A_645 : vector<1x1x16xf32> to vector<16xf32>
        %add3A_647 = arith.addf %scan3A_592, %get3A_646 : vector<16xf32>
        scf.yield %add3A_598, %add3A_605, %add3A_612, %add3A_619, %add3A_626, %add3A_633, %add3A_640, %add3A_647 : vector<16xf32>, vector<16xf32>, vector<16xf32>, vector<16xf32>, vector<16xf32>, vector<16xf32>, vector<16xf32>, vector<16xf32>
      }
      %scan3A_519 = arith.constant 200 : i32
      %mul3A_520 = arith.constant 5.000000e-03 : f32
      %mul3A_521 = vector.broadcast %mul3A_520 : f32 to vector<16xf32>
      %mul3A_522 = arith.mulf %scan3A_518#0, %mul3A_521 : vector<16xf32>
      %swap3A_523 = arith.index_cast %add3A_433 : i32 to index
      %swap3A_524 = arith.constant 0 : index
      %swap3A_525 = tpu.vector_load %arg7[%swap3A_523, %swap3A_524] {strides = array<i32>} : memref<128x128xf32, #tpu.memory_space<vmem>>, vector<1x16xf32>,
      %swap3A_526 = vector.shape_cast %swap3A_525 : vector<1x16xf32> to vector<16xf32>
      %swap3A_527 = vector.shape_cast %mul3A_522 : vector<16xf32> to vector<1x16xf32>
      tpu.vector_store %arg7[%swap3A_523, %swap3A_524], %swap3A_527 {strides = array<i32>} : memref<128x128xf32, #tpu.memory_space<vmem>>, vector<1x16xf32>,
      %mul3A_528 = arith.constant 5.000000e-03 : f32
      %mul3A_529 = vector.broadcast %mul3A_528 : f32 to vector<16xf32>
      %mul3A_530 = arith.mulf %scan3A_518#1, %mul3A_529 : vector<16xf32>
      %swap3A_531 = arith.index_cast %add3A_433 : i32 to index
      %swap3A_532 = arith.constant 16 : index
      %swap3A_533 = tpu.vector_load %arg7[%swap3A_531, %swap3A_532] {strides = array<i32>} : memref<128x128xf32, #tpu.memory_space<vmem>>, vector<1x16xf32>,
      %swap3A_534 = vector.shape_cast %swap3A_533 : vector<1x16xf32> to vector<16xf32>
      %swap3A_535 = vector.shape_cast %mul3A_530 : vector<16xf32> to vector<1x16xf32>
      tpu.vector_store %arg7[%swap3A_531, %swap3A_532], %swap3A_535 {strides = array<i32>} : memref<128x128xf32, #tpu.memory_space<vmem>>, vector<1x16xf32>,
      %mul3A_536 = arith.constant 5.000000e-03 : f32
      %mul3A_537 = vector.broadcast %mul3A_536 : f32 to vector<16xf32>
      %mul3A_538 = arith.mulf %scan3A_518#2, %mul3A_537 : vector<16xf32>
      %swap3A_539 = arith.index_cast %add3A_433 : i32 to index
      %swap3A_540 = arith.constant 32 : index
      %swap3A_541 = tpu.vector_load %arg7[%swap3A_539, %swap3A_540] {strides = array<i32>} : memref<128x128xf32, #tpu.memory_space<vmem>>, vector<1x16xf32>,
      %swap3A_542 = vector.shape_cast %swap3A_541 : vector<1x16xf32> to vector<16xf32>
      %swap3A_543 = vector.shape_cast %mul3A_538 : vector<16xf32> to vector<1x16xf32>
      tpu.vector_store %arg7[%swap3A_539, %swap3A_540], %swap3A_543 {strides = array<i32>} : memref<128x128xf32, #tpu.memory_space<vmem>>, vector<1x16xf32>,
      %mul3A_544 = arith.constant 5.000000e-03 : f32
      %mul3A_545 = vector.broadcast %mul3A_544 : f32 to vector<16xf32>
      %mul3A_546 = arith.mulf %scan3A_518#3, %mul3A_545 : vector<16xf32>
      %swap3A_547 = arith.index_cast %add3A_433 : i32 to index
      %swap3A_548 = arith.constant 48 : index
      %swap3A_549 = tpu.vector_load %arg7[%swap3A_547, %swap3A_548] {strides = array<i32>} : memref<128x128xf32, #tpu.memory_space<vmem>>, vector<1x16xf32>,
      %swap3A_550 = vector.shape_cast %swap3A_549 : vector<1x16xf32> to vector<16xf32>
      %swap3A_551 = vector.shape_cast %mul3A_546 : vector<16xf32> to vector<1x16xf32>
      tpu.vector_store %arg7[%swap3A_547, %swap3A_548], %swap3A_551 {strides = array<i32>} : memref<128x128xf32, #tpu.memory_space<vmem>>, vector<1x16xf32>,
      %mul3A_552 = arith.constant 5.000000e-03 : f32
      %mul3A_553 = vector.broadcast %mul3A_552 : f32 to vector<16xf32>
      %mul3A_554 = arith.mulf %scan3A_518#4, %mul3A_553 : vector<16xf32>
      %swap3A_555 = arith.index_cast %add3A_433 : i32 to index
      %swap3A_556 = arith.constant 64 : index
      %swap3A_557 = tpu.vector_load %arg7[%swap3A_555, %swap3A_556] {strides = array<i32>} : memref<128x128xf32, #tpu.memory_space<vmem>>, vector<1x16xf32>,
      %swap3A_558 = vector.shape_cast %swap3A_557 : vector<1x16xf32> to vector<16xf32>
      %swap3A_559 = vector.shape_cast %mul3A_554 : vector<16xf32> to vector<1x16xf32>
      tpu.vector_store %arg7[%swap3A_555, %swap3A_556], %swap3A_559 {strides = array<i32>} : memref<128x128xf32, #tpu.memory_space<vmem>>, vector<1x16xf32>,
      %mul3A_560 = arith.constant 5.000000e-03 : f32
      %mul3A_561 = vector.broadcast %mul3A_560 : f32 to vector<16xf32>
      %mul3A_562 = arith.mulf %scan3A_518#5, %mul3A_561 : vector<16xf32>
      %swap3A_563 = arith.index_cast %add3A_433 : i32 to index
      %swap3A_564 = arith.constant 80 : index
      %swap3A_565 = tpu.vector_load %arg7[%swap3A_563, %swap3A_564] {strides = array<i32>} : memref<128x128xf32, #tpu.memory_space<vmem>>, vector<1x16xf32>,
      %swap3A_566 = vector.shape_cast %swap3A_565 : vector<1x16xf32> to vector<16xf32>
      %swap3A_567 = vector.shape_cast %mul3A_562 : vector<16xf32> to vector<1x16xf32>
      tpu.vector_store %arg7[%swap3A_563, %swap3A_564], %swap3A_567 {strides = array<i32>} : memref<128x128xf32, #tpu.memory_space<vmem>>, vector<1x16xf32>,
      %mul3A_568 = arith.constant 5.000000e-03 : f32
      %mul3A_569 = vector.broadcast %mul3A_568 : f32 to vector<16xf32>
      %mul3A_570 = arith.mulf %scan3A_518#6, %mul3A_569 : vector<16xf32>
      %swap3A_571 = arith.index_cast %add3A_433 : i32 to index
      %swap3A_572 = arith.constant 96 : index
      %swap3A_573 = tpu.vector_load %arg7[%swap3A_571, %swap3A_572] {strides = array<i32>} : memref<128x128xf32, #tpu.memory_space<vmem>>, vector<1x16xf32>,
      %swap3A_574 = vector.shape_cast %swap3A_573 : vector<1x16xf32> to vector<16xf32>
      %swap3A_575 = vector.shape_cast %mul3A_570 : vector<16xf32> to vector<1x16xf32>
      tpu.vector_store %arg7[%swap3A_571, %swap3A_572], %swap3A_575 {strides = array<i32>} : memref<128x128xf32, #tpu.memory_space<vmem>>, vector<1x16xf32>,
      %mul3A_576 = arith.constant 5.000000e-03 : f32
      %mul3A_577 = vector.broadcast %mul3A_576 : f32 to vector<16xf32>
      %mul3A_578 = arith.mulf %scan3A_518#7, %mul3A_577 : vector<16xf32>
      %swap3A_579 = arith.index_cast %add3A_433 : i32 to index
      %swap3A_580 = arith.constant 112 : index
      %swap3A_581 = tpu.vector_load %arg7[%swap3A_579, %swap3A_580] {strides = array<i32>} : memref<128x128xf32, #tpu.memory_space<vmem>>, vector<1x16xf32>,
      %swap3A_582 = vector.shape_cast %swap3A_581 : vector<1x16xf32> to vector<16xf32>
      %swap3A_583 = vector.shape_cast %mul3A_578 : vector<16xf32> to vector<1x16xf32>
      tpu.vector_store %arg7[%swap3A_579, %swap3A_580], %swap3A_583 {strides = array<i32>} : memref<128x128xf32, #tpu.memory_space<vmem>>, vector<1x16xf32>,
    }
    %scan3A_65 = arith.constant 43 : i32
    %dma_wait3A = arith.constant 0 : i32
    %dma_wait3A_66 = arith.constant 0 : i32
    %dma_wait3A_67 = arith.constant 0 : i32
    %dma_wait3A_68 = arith.constant 0 : i32
    %dma_wait3A_69 = arith.constant 0 : i32
    %dma_wait3A_70 = tpu.memref_slice %arg6[%dma_wait3A_66, %dma_wait3A_68, %dma_wait3A_69] : memref<3x200x128xf32, #tpu.memory_space<vmem>> -> memref<1x128x128xf32, #tpu.memory_space<vmem>>
    %dma_wait3A_71 = tpu.memref_squeeze %dma_wait3A_70 : memref<1x128x128xf32, #tpu.memory_space<vmem>> -> memref<128x128xf32, #tpu.memory_space<vmem>>
    %dma_wait3A_72 = arith.constant 0 : i32
    %dma_wait3A_73 = tpu.memref_slice %arg5[%dma_wait3A, %dma_wait3A_72] : memref<128x200xi32, #tpu.memory_space<vmem>> -> memref<1x128xi32, #tpu.memory_space<vmem>>
    %dma_wait3A_74 = tpu.memref_squeeze %dma_wait3A_73 : memref<1x128xi32, #tpu.memory_space<vmem>> -> memref<128xi32, #tpu.memory_space<vmem>>
    %dma_wait3A_75 = arith.constant 0 : i32
    %dma_wait3A_76 = arith.constant 0 : i32
    %dma_wait3A_77 = tpu.memref_slice %arg3[%dma_wait3A_75, %dma_wait3A_76] : memref<100000x128xf32, #tpu.memory_space<hbm>> -> memref<100000x128xf32, #tpu.memory_space<hbm>>
    %dma_wait3A_78 = tpu.memref_slice %arg8[%dma_wait3A_67] : memref<3x!tpu.dma_semaphore, #tpu.memory_space<semaphore_mem>> -> memref<1x!tpu.dma_semaphore, #tpu.memory_space<semaphore_mem>>
    %dma_wait3A_79 = tpu.memref_squeeze %dma_wait3A_78 : memref<1x!tpu.dma_semaphore, #tpu.memory_space<semaphore_mem>> -> memref<!tpu.dma_semaphore, #tpu.memory_space<semaphore_mem>>
    tpu.wait_indirect_dma semaphore(%dma_wait3A_79 : memref<!tpu.dma_semaphore, #tpu.memory_space<semaphore_mem>>) src(%dma_wait3A_77 : memref<100000x128xf32, #tpu.memory_space<hbm>>) dst(%dma_wait3A_71 : memref<128x128xf32, #tpu.memory_space<vmem>>)
    %dma_wait3A_80 = arith.constant 0 : i32
    %dma_wait3A_81 = arith.constant 0 : i32
    %dma_wait3A_82 = arith.constant 0 : i32
    %dma_wait3A_83 = arith.constant 128 : i32
    %dma_wait3A_84 = arith.constant 0 : i32
    %dma_wait3A_85 = tpu.memref_slice %arg6[%dma_wait3A_81, %dma_wait3A_83, %dma_wait3A_84] : memref<3x200x128xf32, #tpu.memory_space<vmem>> -> memref<1x72x128xf32, #tpu.memory_space<vmem>>
    %dma_wait3A_86 = tpu.memref_squeeze %dma_wait3A_85 : memref<1x72x128xf32, #tpu.memory_space<vmem>> -> memref<72x128xf32, #tpu.memory_space<vmem>>
    %dma_wait3A_87 = arith.constant 128 : i32
    %dma_wait3A_88 = tpu.memref_slice %arg5[%dma_wait3A_80, %dma_wait3A_87] : memref<128x200xi32, #tpu.memory_space<vmem>> -> memref<1x72xi32, #tpu.memory_space<vmem>>
    %dma_wait3A_89 = tpu.memref_squeeze %dma_wait3A_88 : memref<1x72xi32, #tpu.memory_space<vmem>> -> memref<72xi32, #tpu.memory_space<vmem>>
    %dma_wait3A_90 = arith.constant 0 : i32
    %dma_wait3A_91 = arith.constant 0 : i32
    %dma_wait3A_92 = tpu.memref_slice %arg3[%dma_wait3A_90, %dma_wait3A_91] : memref<100000x128xf32, #tpu.memory_space<hbm>> -> memref<100000x128xf32, #tpu.memory_space<hbm>>
    %dma_wait3A_93 = tpu.memref_slice %arg8[%dma_wait3A_82] : memref<3x!tpu.dma_semaphore, #tpu.memory_space<semaphore_mem>> -> memref<1x!tpu.dma_semaphore, #tpu.memory_space<semaphore_mem>>
    %dma_wait3A_94 = tpu.memref_squeeze %dma_wait3A_93 : memref<1x!tpu.dma_semaphore, #tpu.memory_space<semaphore_mem>> -> memref<!tpu.dma_semaphore, #tpu.memory_space<semaphore_mem>>
    tpu.wait_indirect_dma semaphore(%dma_wait3A_94 : memref<!tpu.dma_semaphore, #tpu.memory_space<semaphore_mem>>) src(%dma_wait3A_92 : memref<100000x128xf32, #tpu.memory_space<hbm>>) dst(%dma_wait3A_86 : memref<72x128xf32, #tpu.memory_space<vmem>>)
    %dma_wait3A_95 = arith.constant 0 : i32
    %dma_wait3A_96 = arith.constant 1 : i32
    %dma_wait3A_97 = arith.constant 1 : i32
    %dma_wait3A_98 = arith.constant 0 : i32
    %dma_wait3A_99 = arith.constant 0 : i32
    %dma_wait3A_100 = tpu.memref_slice %arg6[%dma_wait3A_96, %dma_wait3A_98, %dma_wait3A_99] : memref<3x200x128xf32, #tpu.memory_space<vmem>> -> memref<1x128x128xf32, #tpu.memory_space<vmem>>
    %dma_wait3A_101 = tpu.memref_squeeze %dma_wait3A_100 : memref<1x128x128xf32, #tpu.memory_space<vmem>> -> memref<128x128xf32, #tpu.memory_space<vmem>>
    %dma_wait3A_102 = arith.constant 0 : i32
    %dma_wait3A_103 = tpu.memref_slice %arg5[%dma_wait3A_95, %dma_wait3A_102] : memref<128x200xi32, #tpu.memory_space<vmem>> -> memref<1x128xi32, #tpu.memory_space<vmem>>
    %dma_wait3A_104 = tpu.memref_squeeze %dma_wait3A_103 : memref<1x128xi32, #tpu.memory_space<vmem>> -> memref<128xi32, #tpu.memory_space<vmem>>
    %dma_wait3A_105 = arith.constant 0 : i32
    %dma_wait3A_106 = arith.constant 0 : i32
    %dma_wait3A_107 = tpu.memref_slice %arg3[%dma_wait3A_105, %dma_wait3A_106] : memref<100000x128xf32, #tpu.memory_space<hbm>> -> memref<100000x128xf32, #tpu.memory_space<hbm>>
    %dma_wait3A_108 = tpu.memref_slice %arg8[%dma_wait3A_97] : memref<3x!tpu.dma_semaphore, #tpu.memory_space<semaphore_mem>> -> memref<1x!tpu.dma_semaphore, #tpu.memory_space<semaphore_mem>>
    %dma_wait3A_109 = tpu.memref_squeeze %dma_wait3A_108 : memref<1x!tpu.dma_semaphore, #tpu.memory_space<semaphore_mem>> -> memref<!tpu.dma_semaphore, #tpu.memory_space<semaphore_mem>>
    tpu.wait_indirect_dma semaphore(%dma_wait3A_109 : memref<!tpu.dma_semaphore, #tpu.memory_space<semaphore_mem>>) src(%dma_wait3A_107 : memref<100000x128xf32, #tpu.memory_space<hbm>>) dst(%dma_wait3A_101 : memref<128x128xf32, #tpu.memory_space<vmem>>)
    %dma_wait3A_110 = arith.constant 0 : i32
    %dma_wait3A_111 = arith.constant 1 : i32
    %dma_wait3A_112 = arith.constant 1 : i32
    %dma_wait3A_113 = arith.constant 128 : i32
    %dma_wait3A_114 = arith.constant 0 : i32
    %dma_wait3A_115 = tpu.memref_slice %arg6[%dma_wait3A_111, %dma_wait3A_113, %dma_wait3A_114] : memref<3x200x128xf32, #tpu.memory_space<vmem>> -> memref<1x72x128xf32, #tpu.memory_space<vmem>>
    %dma_wait3A_116 = tpu.memref_squeeze %dma_wait3A_115 : memref<1x72x128xf32, #tpu.memory_space<vmem>> -> memref<72x128xf32, #tpu.memory_space<vmem>>
    %dma_wait3A_117 = arith.constant 128 : i32
    %dma_wait3A_118 = tpu.memref_slice %arg5[%dma_wait3A_110, %dma_wait3A_117] : memref<128x200xi32, #tpu.memory_space<vmem>> -> memref<1x72xi32, #tpu.memory_space<vmem>>
    %dma_wait3A_119 = tpu.memref_squeeze %dma_wait3A_118 : memref<1x72xi32, #tpu.memory_space<vmem>> -> memref<72xi32, #tpu.memory_space<vmem>>
    %dma_wait3A_120 = arith.constant 0 : i32
    %dma_wait3A_121 = arith.constant 0 : i32
    %dma_wait3A_122 = tpu.memref_slice %arg3[%dma_wait3A_120, %dma_wait3A_121] : memref<100000x128xf32, #tpu.memory_space<hbm>> -> memref<100000x128xf32, #tpu.memory_space<hbm>>
    %dma_wait3A_123 = tpu.memref_slice %arg8[%dma_wait3A_112] : memref<3x!tpu.dma_semaphore, #tpu.memory_space<semaphore_mem>> -> memref<1x!tpu.dma_semaphore, #tpu.memory_space<semaphore_mem>>
    %dma_wait3A_124 = tpu.memref_squeeze %dma_wait3A_123 : memref<1x!tpu.dma_semaphore, #tpu.memory_space<semaphore_mem>> -> memref<!tpu.dma_semaphore, #tpu.memory_space<semaphore_mem>>
    tpu.wait_indirect_dma semaphore(%dma_wait3A_124 : memref<!tpu.dma_semaphore, #tpu.memory_space<semaphore_mem>>) src(%dma_wait3A_122 : memref<100000x128xf32, #tpu.memory_space<hbm>>) dst(%dma_wait3A_116 : memref<72x128xf32, #tpu.memory_space<vmem>>)
    %mul3A_125 = arith.constant 128 : i32
    %mul3A_126 = arith.muli %add3A, %mul3A_125 : i32
    "tpu.region"() ({
      %run_scoped3A = tpu.sem_alloc : memref<!tpu.dma_semaphore, #tpu.memory_space<semaphore_mem>>
      %dma_start3A_127 = arith.constant 0 : i32
      %dma_start3A_128 = tpu.memref_slice %arg4[%mul3A_126, %dma_start3A_127] : memref<4096x128xf32, #tpu.memory_space<hbm>> -> memref<128x128xf32, #tpu.memory_space<hbm>>
      %dma_start3A_129 = arith.constant 0 : i32
      %dma_start3A_130 = tpu.memref_slice %arg4[%mul3A_126, %dma_start3A_129] : memref<4096x128xf32, #tpu.memory_space<hbm>> -> memref<128x128xf32, #tpu.memory_space<hbm>>
      tpu.enqueue_dma source(%arg7 : memref<128x128xf32, #tpu.memory_space<vmem>>) target(%dma_start3A_130 : memref<128x128xf32, #tpu.memory_space<hbm>>) target_semaphore(%run_scoped3A : memref<!tpu.dma_semaphore, #tpu.memory_space<semaphore_mem>>)
      %dma_wait3A_131 = arith.constant 0 : i32
      %dma_wait3A_132 = tpu.memref_slice %arg4[%mul3A_126, %dma_wait3A_131] : memref<4096x128xf32, #tpu.memory_space<hbm>> -> memref<128x128xf32, #tpu.memory_space<hbm>>
      %dma_wait3A_133 = arith.constant 0 : i32
      %dma_wait3A_134 = tpu.memref_slice %arg4[%mul3A_126, %dma_wait3A_133] : memref<4096x128xf32, #tpu.memory_space<hbm>> -> memref<128x128xf32, #tpu.memory_space<hbm>>
      tpu.wait_dma2 semaphore(%run_scoped3A : memref<!tpu.dma_semaphore, #tpu.memory_space<semaphore_mem>>) src(%arg7 : memref<128x128xf32, #tpu.memory_space<vmem>>) dst(%dma_wait3A_134 : memref<128x128xf32, #tpu.memory_space<hbm>>)
      tpu.yield
    }) : () -> ()
    return
  }
}

</mosaic_0001>

<sc_bundles>
// kernel: _pool.3.cloned.1.call-start
scs
__scs_entry_jumppad:
0x0: {  	(pc) =	sbr.rel $0x88, $3  }
0x1: {  	(tag) =	ssettag $0x0;
	lr =	simm.s32 $0x1  }
0x2: {  	[smem:$0x3F9F] =	sst lr;
	_ =	strace $0xD0000000  }
0x3: {  	_ = 	snop  }
0x4: {  	_ = 	snop  }
0x5: {  	_ = 	snop  }
0x6: {  	_ = 	snop  }
0x7: {  	_ = 	snop  }
__scs_overlays_trampoline_lowered:
0x8: {  	[smem:$0x3FAE] =	sst s0  }
0x9: {  	[smem:$0x3FAF] =	sst s1  }
0xa: {  	[smem:$0x3FB0] =	sst s2  }
0xb: {  	[smem:$0x3FB1] =	sst s3  }
0xc: {  	[smem:$0x3FB2] =	sst s4  }
0xd: {  	[smem:$0x3FB3] =	sst s5  }
0xe: {  	[smem:$0x3FB4] =	sst s6  }
0xf: {  	[smem:$0x3FB5] =	sst s7  }
0x10: {  	[smem:$0x3FB6] =	sst s8  }
0x11: {  	[smem:$0x3FB7] =	sst s9;
	s0 =	simm.s32 @!p0 $0x0  }
0x12: {  	s1 =	sld [smem:$0x3F9D];
	s0 =	simm.s32 @p0 $0x1  }
0x13: {  	[smem:$0x3FB8] =	sst s0;
	s0 =	simm.s32 @!p1 $0x0  }
0x14: {  	s2 =	sld [smem:$0x3F9C];
	s0 =	simm.s32 @p1 $0x1  }
0x15: {  	[smem:$0x3FB9] =	sst s0;
	s0 =	simm.s32 @!p2 $0x0  }
0x16: {  	s3 =	sld [smem:$0x3FDB];
	s0 =	simm.s32 @p2 $0x1  }
0x17: {  	s4 =	simm.s32 $0x1BF5;
	[smem:$0x3FBB] =	sst s0  }
0x18: {  	s0 =	sld [smem:$0x3F9E];
	_ =	swait.ge [sflag:s4], $0x0  }
0x19: {  	s7 =	sld [smem:$0x3F9F]  }
0x1a: {  	s8 =	sadd.s32 $0xFFFFE003, lr  }
0x1b: {  	s9 =	sadd.s32 $0xFFFFFEF7, lr;
	s5 =	simm.s32 $0xFFFFFFFF;
	p2 =	slt.u32 s8, $0xFFFFF086  }
0x1c: {  	p1 =	slt.u32 s9, $0xF7A;
	s5 =	simm.s32 @!p2 $0x0  }
0x1d: {  	s5 =	simm.s32 @p1 $0x1;
	p0 =	seq.s32 s7, s2  }
0x1e: {  	s7 =	smul.u32 @!p0 $0xF7A, s2;
	p2 =	seq.s32 @!p0 s5, $0x0  }
0x1f: {  	s9 =	smul.u32 $0xF7A, s1;
	s8 =	simm.s32 @!p0 $0x1BF5;
	p2 =	por !p2, p0  }
0x20: {  	[sflag:s8] =	ssyncset.s32 @!p0 $0xFFFFF086;
	s6 =	sadd.s32 @!p0 s3, s7;
	s7 =	simm.s32 @!p0 $0x108  }
0x21: {  	s3 =	sadd.s32 s3, s9;
	s6 =	sadd.s32 @!p0 $0x88, s6;
	s7 =	simm.s32 @p2 $0x1082  }
0x22: {  	[simem:s7], [sflag:s8] =	dma.local @!p0 [hbm:s6], $0xF7A  }
0x23: {  	s9 =	sor.u32 $0xD0000000, s2;
	s6 =	simm.s32 $0x108;
	_ =	swait.ge @!p0 [sflag:s8], $0x0  }
0x24: {  	s3 =	sadd.s32 $0x88, s3;
	s6 =	simm.s32 @!p1 $0x1082;
	[sflag:s4] =	ssyncset.s32 $0xFFFFF086  }
0x25: {  	[simem:s6], [sflag:s4] =	dma.local [hbm:s3], $0xF7A  }
0x26: {  	[smem:$0x3F9F] =	sst s1;
	(tag) =	ssettag s2;
	_ =	strace s9  }
0x27: {  	s1 =	sld [smem:$0x3FAF]  }
0x28: {  	s2 =	sld [smem:$0x3FB0]  }
0x29: {  	s4 =	sld [smem:$0x3FB2]  }
0x2a: {  	p0 =	seq.s32 s5, $0x0;
	s5 =	sld [smem:$0x3FB3]  }
0x2b: {  	s6 =	sld [smem:$0x3FB4]  }
0x2c: {  	s7 =	sld [smem:$0x3FB5]  }
0x2d: {  	s3 =	simm.s32 $0x108;
	s8 =	sld [smem:$0x3FB6]  }
0x2e: {  	s3 =	simm.s32 @!p0 $0x1082;
	s9 =	sld [smem:$0x3FB7]  }
0x2f: {  	lr =	sadd.s32 s0, s3;
	s0 =	sld [smem:$0x3FAE]  }
0x30: {  	s3 =	sld [smem:$0x3FB1]  }
0x31: {  	[smem:$0x3FBA] =	sst s10  }
0x32: {  	s10 =	sld [smem:$0x3FB8];
	_ =	sdelay $0x3  }
0x33: {  	p0 =	seq.s32 s10, $0x1;
	s10 =	sld [smem:$0x3FBA];
	_ =	sdelay $0x3  }
0x34: {  	[smem:$0x3FBA] =	sst s10  }
0x35: {  	s10 =	sld [smem:$0x3FB9];
	_ =	sdelay $0x3  }
0x36: {  	p1 =	seq.s32 s10, $0x1;
	s10 =	sld [smem:$0x3FBA];
	_ =	sdelay $0x3  }
0x37: {  	[smem:$0x3FBA] =	sst s10  }
0x38: {  	s10 =	sld [smem:$0x3FBB]  }
0x39: {  	_ = 	snop;
	(pc) =	sbr.ind lr, $3  }
0x3a: {  	_ = 	snop  }
0x3b: {  	_ = 	snop  }
0x3c: {  	p2 =	seq.s32 s10, $0x1;
	s10 =	sld [smem:$0x3FBA]  }
0x3d: {  	_ =	shalt  }
0x3e: {  	_ =	shalt  }
0x3f: {  	_ =	shalt  }
0x40: {  	_ =	shalt  }
0x41: {  	_ =	shalt  }
0x42: {  	_ =	shalt  }
0x43: {  	_ =	shalt  }
0x44: {  	_ =	shalt  }
0x45: {  	_ =	shalt  }
0x46: {  	_ =	shalt  }
0x47: {  	_ =	shalt  }
0x48: {  	_ =	shalt  }
0x49: {  	_ =	shalt  }
0x4a: {  	_ =	shalt  }
0x4b: {  	_ =	shalt  }
0x4c: {  	_ =	shalt  }
0x4d: {  	_ =	shalt  }
0x4e: {  	_ =	shalt  }
0x4f: {  	_ =	shalt  }
0x50: {  	_ =	shalt  }
0x51: {  	_ =	shalt  }
0x52: {  	_ =	shalt  }
0x53: {  	_ =	shalt  }
0x54: {  	_ =	shalt  }
0x55: {  	_ =	shalt  }
0x56: {  	_ =	shalt  }
0x57: {  	_ =	shalt  }
0x58: {  	_ =	shalt  }
0x59: {  	_ =	shalt  }
0x5a: {  	_ =	shalt  }
0x5b: {  	_ =	shalt  }
0x5c: {  	_ =	shalt  }
0x5d: {  	_ =	shalt  }
0x5e: {  	_ =	shalt  }
0x5f: {  	_ =	shalt  }
0x60: {  	_ =	shalt  }
0x61: {  	_ =	shalt  }
0x62: {  	_ =	shalt  }
0x63: {  	_ =	shalt  }
0x64: {  	_ =	shalt  }
0x65: {  	_ =	shalt  }
0x66: {  	_ =	shalt  }
0x67: {  	_ =	shalt  }
0x68: {  	_ =	shalt  }
0x69: {  	_ =	shalt  }
0x6a: {  	_ =	shalt  }
0x6b: {  	_ =	shalt  }
0x6c: {  	_ =	shalt  }
0x6d: {  	_ =	shalt  }
0x6e: {  	_ =	shalt  }
0x6f: {  	_ =	shalt  }
0x70: {  	_ =	shalt  }
0x71: {  	_ =	shalt  }
0x72: {  	_ =	shalt  }
0x73: {  	_ =	shalt  }
0x74: {  	_ =	shalt  }
0x75: {  	_ =	shalt  }
0x76: {  	_ =	shalt  }
0x77: {  	_ =	shalt  }
0x78: {  	_ =	shalt  }
0x79: {  	_ =	shalt  }
0x7a: {  	_ =	shalt  }
0x7b: {  	_ =	shalt  }
0x7c: {  	_ =	shalt  }
0x7d: {  	_ =	shalt  }
0x7e: {  	_ =	shalt  }
0x7f: {  	_ =	shalt  }
0x80: {  	_ =	shalt  }
0x81: {  	_ =	shalt  }
0x82: {  	_ =	shalt  }
0x83: {  	_ =	shalt  }
0x84: {  	_ =	shalt  }
0x85: {  	_ =	shalt  }
0x86: {  	_ =	shalt  }
0x87: {  	_ =	shalt  }
.Lfunc_end0:
.L_simem_size_0:
called_computation_lowered:
.L_overlay_start_0:
0x88: {  	s2 =	sld [smem:$0x3FD9]  }
0x89: {  	s3 =	sld [smem:$0x3FFE];
	_ =	sdelay $0x1  }
0x8a: {  	s1 =	srdreg.scid  }
0x8b: {  	s0 =	sand.u32 $0x1, s1  }
0x8c: {  	s17 =	sshll.u32 s0, $0xA;
	s2 =	sadd.s32 s3, s2  }
0x8d: {  	s2 =	sadd.s32 s2, s17  }
0x8e: {  	[smem:$0x3FC6] =	sst s2  }
0x8f: {  	_ = 	snop  }
0x90: {  	s2 =	sld [smem:$0x3FC8]  }
0x91: {  	s18 =	sld [smem:$0x3FD0];
	(tm) =	ssettm $0x1  }
0x92: {  	s4 =	sld [smem:$0x3FFB];
	_ =	sdelay $0x3  }
0x93: {  	_ =	strace s4  }
0x94: {  	s4 =	sld [smem:$0x3FFC];
	_ =	sdelay $0x3  }
0x95: {  	_ =	strace s4  }
0x96: {  	s4 =	sld [smem:$0x3FFD];
	_ =	sdelay $0x3  }
0x97: {  	_ =	strace s4  }
0x98: {  	_ =	strace $0x8FFFFFFF  }
0x99: {  	s19 =	sld [smem:$0x3FDB];
	_ =	sdelay $0x1  }
0x9a: {  	s5 =	simm.s32 $_scs_section_size  }
0x9b: {  	s6 =	simm.s32 $_size__tile_overlayer_lowered;
	s7 =	simm.s32 $_tile_overlayer_lowered  }
0x9c: {  	s22 =	simm.s32 $0x1BFF;
	s21 =	sshll.u32 s7, $0x1;
	s4 =	sadd.s32 s5, s19  }
0x9d: {  	s8 =	simm.s32 $0x0;
	s20 =	sshll.u32 s6, $0x1;
	s6 =	sadd.s32 s21, s4  }
0x9e: {  	[timem:s8], [sflag:s22] =	dma.local [hbm:s6], s20  }
0x9f: {  	_ =	swait.ge [sflag:s22], s20  }
0xa0: {  	s5 =	ssub.s32 $0x0, s20;
	[sflag:s22] =	ssyncset.done $0x0  }
0xa1: {  	[sflag:s22] =	ssyncadd.s32 s5;
	_ =	sdelay $0x1  }
0xa2: {  	s23 =	simm.s32 $0x1B8B  }
0xa3: {  	_ =	swait.ge [sflag:s23], $0x1  }
0xa4: {  	[sflag:s23] =	ssyncset.done $0x0  }
0xa5: {  	s25 =	simm.s32 $0x1B8E;
	s24 =	sld [smem:$0x3FFE];
	[sflag:s23] =	ssyncadd.s32 $0xFFFFFFFF  }
0xa6: {  	s26 =	simm.s32 $execute0_lowered;
	[smem:$0x3FD2] =	sst s25  }
0xa7: {  	s6 =	sshll.u32 s26, $0x1;
	_ =	strace $0x80000046;
	[dreg:$0x1] =	wrdreg $0xFFFFFFFF  }
0xa8: {  	s28 =	simm.s32 $_size_execute0_lowered;
	s4 =	sadd.s32 s4, s6;
	[dreg:$0x0] =	wrdreg $0x0  }
0xa9: {  	s6 =	sshll.u32 s28, $0x1;
	[dreg:$0x2] =	wrdreg s4  }
0xaa: {  	[dreg:$0x3] =	wrdreg s6  }
0xab: {  	[dreg:$0x4] =	wrdreg $0xC0  }
0xac: {  	_ =	task [dreg:s8], $0x5FFFF  }
0xad: {  	[dreg:$0x1] =	wrdreg $0xFFFFFFFF  }
0xae: {  	[dreg:$0x0] =	wrdreg $0x60  }
0xaf: {  	[dreg:$0x2] =	wrdreg s24  }
0xb0: {  	[dreg:$0x3] =	wrdreg s2  }
0xb1: {  	[dreg:$0x4] =	wrdreg s18  }
0xb2: {  	[dreg:$0x5] =	wrdreg $0x9  }
0xb3: {  	_ =	task.clear_ibuf [dreg:s8], $0x6FFFF;
	_ =	strace $0x90000046  }
0xb4: {  	s29 =	simm.s32 $0x9;
	_ =	strace $0x80000048  }
0xb5: {  	_ =	swait.ge [sflag:s29], $0x1  }
0xb6: {  	[sflag:s29] =	ssyncadd.s32 $0xFFFFFFFF  }
0xb7: {  	_ =	strace $0x90000048  }
0xb8: {  	_ =	sfence  }
0xb9: {  	s30 =	sld [smem:$0x0];
	_ =	sdelay $0x2  }
0xba: {  	s31 =	sshll.u32 s1, $0xD;
	s1 =	sshrl.u32 s1, $0x2  }
0xbb: {  	s3 =	sand.u32 $0x4000, s31;
	s1 =	sadd.s32 s1, s30  }
0xbc: {  	s0 =	sor.u32 s3, s0;
	s1 =	sshll.u32 s1, $0x11  }
0xbd: {  	s0 =	sor.u32 s1, s0  }
0xbe: {  	s0 =	sadd.s32 $0x8F2B, s0  }
0xbf: {  	[sflag:s0] =	ssyncadd.remote.s32 $0x1  }
0xc0: {  	_ =	sfence.sel $0xFFFF  }
0xc1: {  	[dreg:$0x0] =	wrdreg $0xFFFFFFFF;
	(pc) =	sbr.abs _section_cstart, $3  }
0xc2: {  	[dreg:$0x1] =	wrdreg $0xFFFFFFFF  }
0xc3: {  	_ =	task.clear_ibuf [dreg:s8], $0x2FFFF;
	_ =	strace $0x9FFFFFFF  }
0xc4: {  	(tm) =	ssettm $0x7FFFFFFF  }
0xc5: {  	_ =	shalt  }
tec
execute0_lowered:
.L_overlay_start_1:
0x0: {  	(tag) =	ssettag $0x1  }
0x1: {  	s4 =	rddreg [dreg:$0x0]  }
0x2: {  	s1 =	srdreg.scid;
	s2 =	rddreg [dreg:$0x1]  }
0x3: {  	s0 =	stileid.u32;
	s6 =	rddreg [dreg:$0x2];
	s3 =	simm.s32 $0x0  }
0x4: {  	s9 =	simm.s32 $0x8000;
	s10 =	simm.s32 $0x48;
	s11 =	simm.s32 $0x400  }
0x5: {  	s12 =	simm.s32 $0xC000;
	s13 =	simm.s32 $0xE400;
	s14 =	simm.s32 $0x480  }
0x6: {  	s15 =	simm.s32 $0x12400;
	s16 =	simm.s32 $0x14800;
	s17 =	simm.s32 $0x18800  }
0x7: {  	s18 =	simm.s32 $0x1;
	s19 =	simm.s32 $0x2;
	s20 =	simm.s32 $0x3  }
0x8: {  	s21 =	simm.s32 $0x1AC00;
	s22 =	simm.s32 $0x0;
	s30 =	simm.s32 $0x0  }
0x9: {  	s5 =	sand.u32 $0x1, s1;
	s7 =	sshll.u32 s0, $0x8;
	s1 =	rddreg [dreg:$0x3]  }
0xa: {  	[smem:$0x7FF] =	sst s3;
	s8 =	sshll.u32 s5, $0x7;
	s5 =	ssub.s32 $0x2, s5  }
0xb: {  	_ =	strace $0x80000047;
	s7 =	sor.u32 s8, s7;
	s29 =	sshrl.u32 s5, $0x1  }
0xc: {  	s8 =	sshll.u32 s7, $0x5;
	s31 =	sshll.u32 s7, $0x4;
	s7 =	simm.s32 $0x4  }
0xd: {  	s4 =	sadd.s32 s8, s4;
	s8 =	ssub.s32 s5, s29;
	s5 =	sadd.s32 s6, s31  }
0xe: {  	s4 =	sadd.s32 $0x400, s4;
	s6 =	smax.u32 s8, $0x1;
	s8 =	simm.s32 $0x80  }
.LBB2_1:
0xf: {  	[tilespmem:s3], [sflag:$0x4] =	stream.linear.gather [hbm4b:s4+s3], $0x8000, $0x38;
	[tilespmem:$0x1EC00] =	vst v63  }
0x10: {  	_ =	swait.ge [sflag:s7], $0x8000  }
0x11: {  	[sflag:s7] =	ssyncset.done $0x0  }
0x12: {  	[sflag:s7] =	ssyncadd.s32 $0xFFFF8000  }
0x13: {  	[tilespmem:s9], [sflag:$0x1] =	stream.indirect.gather [hbm4b:s2+s8], $0x80, s3, s8, $0xb8;
	[tilespmem:$0x1EC00] =	vst v63  }
0x14: {  	_ = 	snop  }
0x15: {  	[tilespmem:s12], [sflag:$0x1] =	stream.indirect.gather [hbm4b:s2+s10], $0x80, s11, s10, $0xb8;
	[tilespmem:$0x1EC00] =	vst v63  }
0x16: {  	_ = 	snop  }
0x17: {  	[tilespmem:s13], [sflag:$0x2] =	stream.indirect.gather [hbm4b:s2+s8], $0x80, s8, s8, $0xb8;
	[tilespmem:$0x1EC00] =	vst v63  }
0x18: {  	s23 =	simm.s32 $0x0  }
0x19: {  	[tilespmem:s15], [sflag:$0x2] =	stream.indirect.gather [hbm4b:s2+s10], $0x80, s14, s10, $0xb8;
	[tilespmem:$0x1EC00] =	vst v63  }
.LBB2_2:
0x1a: {  	s25 =	smul.u32 $0x3, s23;
	_ =	sdelay $0x1  }
0x1b: {  	s24 =	sadd.s32 $0x2, s25  }
0x1c: {  	s26 =	smin.u32 s24, $0x7F  }
0x1d: {  	s28 =	sshll.u32 s26, $0x8;
	s26 =	sshll.u32 s26, $0x7  }
0x1e: {  	s28 =	sand.u32 $0x7800, s28;
	s26 =	sand.u32 $0x380, s26  }
0x1f: {  	s26 =	sor.u32 s26, s28  }
0x20: {  	[tilespmem:s16], [sflag:$0x3] =	stream.indirect.gather [hbm4b:s2+s8], $0x80, s26, s8, $0xb8;
	[tilespmem:$0x1EC00] =	vst v63  }
0x21: {  	s26 =	sor.u32 $0x400, s26  }
0x22: {  	[tilespmem:s17], [sflag:$0x3] =	stream.indirect.gather [hbm4b:s2+s10], $0x80, s26, s10, $0xb8;
	[tilespmem:$0x1EC00] =	vst v63  }
0x23: {  	_ =	swait.ge [sflag:s18], $0x4000  }
0x24: {  	[sflag:s18] =	ssyncset.done $0x0  }
0x25: {  	[sflag:s18] =	ssyncadd.s32 $0xFFFFC000  }
0x26: {  	_ =	swait.ge [sflag:s18], $0x2400  }
0x27: {  	[sflag:s18] =	ssyncset.done $0x0  }
0x28: {  	s29 =	simm.s32 $0x0;
	[sflag:s18] =	ssyncadd.s32 $0xFFFFDC00  }
0x29: {  	v0 =	vld [tilespmem:s29+$0x8070]  }
0x2a: {  	v1 =	vld [tilespmem:s29+$0x8000]  }
0x2b: {  	v3 =	vld [tilespmem:s29+$0x8010]  }
0x2c: {  	v12 =	vld [tilespmem:s29+$0x8020]  }
0x2d: {  	v11 =	vld [tilespmem:s29+$0x8030]  }
0x2e: {  	v2 =	vimm.f32 $0.0e+00;
	v8 =	vimm.f32 $0.0e+00;
	v5 =	vld [tilespmem:s29+$0x8040]  }
0x2f: {  	v9 =	vimm.f32 $0.0e+00;
	v6 =	vld [tilespmem:s29+$0x8050];
	v0 =	vadd.f32 v0, v2;
	v7 =	vadd.f32 v1, v2  }
0x30: {  	s28 =	simm.s32 $0x400;
	s26 =	simm.s32 $0x80;
	v10 =	vld [tilespmem:s29+$0x8060];
	v4 =	vadd.f32 v3, v2;
	v3 =	vimm.f32 $0.0e+00;
	v1 =	vimm.f32 $0.0e+00  }
.LBB2_3:
0x31: {  	p0 =	sne.s32 s28, $0x18E00;
	v13 =	vld [tilespmem:s26+$0x8070];
	v2 =	vadd.f32 v12, v2  }
0x32: {  	v14 =	vld [tilespmem:s26+$0x8000];
	v8 =	vadd.f32 v11, v8  }
0x33: {  	v15 =	vld [tilespmem:s26+$0x8010];
	v9 =	vadd.f32 v5, v9  }
.Ltmp0:
0x34: {  	v12 =	vld [tilespmem:s26+$0x8020];
	v3 =	vadd.f32 v6, v3;
	(pc) =	sbr.rel @p0 .LBB2_3-.Ltmp0, $4  }
0x35: {  	v11 =	vld [tilespmem:s26+$0x8030];
	v1 =	vadd.f32 v10, v1  }
0x36: {  	v5 =	vld [tilespmem:s26+$0x8040];
	v0 =	vadd.f32 v13, v0  }
0x37: {  	v7 =	vadd.f32 v14, v7;
	v6 =	vld [tilespmem:s26+$0x8050]  }
0x38: {  	v4 =	vadd.f32 v15, v4;
	v10 =	vld [tilespmem:s26+$0x8060];
	s26 =	sshra.s32 s28, $0x2;
	s28 =	sadd.s32 $0x200, s28  }
0x39: {  	v13 =	vld [tilespmem:s26+$0x8000]  }
0x3a: {  	v14 =	vld [tilespmem:s26+$0x8010]  }
0x3b: {  	v15 =	vld [tilespmem:s26+$0x8020]  }
0x3c: {  	v2 =	vadd.f32 v12, v2;
	v12 =	vld [tilespmem:s26+$0x8050]  }
0x3d: {  	v8 =	vadd.f32 v11, v8;
	v11 =	vld [tilespmem:s26+$0x8060]  }
0x3e: {  	v16 =	vld [tilespmem:s26+$0x8030];
	v5 =	vadd.f32 v5, v9;
	v7 =	vadd.f32 v13, v7  }
0x3f: {  	v17 =	vld [tilespmem:s26+$0x8040];
	s28 =	smul.u32 $0x600, s23;
	v3 =	vadd.f32 v6, v3;
	v4 =	vadd.f32 v14, v4  }
0x40: {  	v9 =	vld [tilespmem:s26+$0x8070];
	v1 =	vadd.f32 v10, v1;
	v2 =	vadd.f32 v15, v2;
	v7 =	vmul.f32 $4.999999890e-03, v7  }
0x41: {  	s26 =	sshra.s32 s28, $0x2;
	v3 =	vadd.f32 v12, v3;
	v4 =	vmul.f32 $4.999999890e-03, v4  }
0x42: {  	v1 =	vadd.f32 v11, v1;
	v2 =	vmul.f32 $4.999999890e-03, v2;
	[tilespmem:s26+$0x1AC00] =	vst v7  }
0x43: {  	v6 =	vadd.f32 v16, v8;
	v3 =	vmul.f32 $4.999999890e-03, v3;
	[tilespmem:s26+$0x1AC10] =	vst v4  }
0x44: {  	v5 =	vadd.f32 v17, v5;
	v1 =	vmul.f32 $4.999999890e-03, v1;
	[tilespmem:s26+$0x1AC20] =	vst v2  }
0x45: {  	s28 =	smin.u32 s25, $0x7C;
	v0 =	vadd.f32 v9, v0;
	v4 =	vmul.f32 $4.999999890e-03, v6;
	[tilespmem:s26+$0x1AC50] =	vst v3  }
0x46: {  	s28 =	sadd.s32 $0x3, s28;
	v2 =	vmul.f32 $4.999999890e-03, v5;
	[tilespmem:s26+$0x1AC60] =	vst v1  }
0x47: {  	s29 =	sshll.u32 s28, $0x8;
	s28 =	sshll.u32 s28, $0x7;
	v0 =	vmul.f32 $4.999999890e-03, v0;
	[tilespmem:s26+$0x1AC30] =	vst v4  }
0x48: {  	s29 =	sand.u32 $0xF800, s29;
	s28 =	sand.u32 $0x380, s28;
	[tilespmem:s26+$0x1AC40] =	vst v2  }
0x49: {  	s28 =	sor.u32 s28, s29;
	[tilespmem:s26+$0x1AC70] =	vst v0  }
0x4a: {  	[tilespmem:s9], [sflag:$0x1] =	stream.indirect.gather [hbm4b:s2+s8], $0x80, s28, s8, $0xb8;
	[tilespmem:$0x1EC00] =	vst v63  }
0x4b: {  	s28 =	sor.u32 $0x400, s28  }
0x4c: {  	[tilespmem:s12], [sflag:$0x1] =	stream.indirect.gather [hbm4b:s2+s10], $0x80, s28, s10, $0xb8;
	[tilespmem:$0x1EC00] =	vst v63  }
0x4d: {  	_ =	swait.ge [sflag:s19], $0x4000  }
0x4e: {  	[sflag:s19] =	ssyncset.done $0x0  }
0x4f: {  	[sflag:s19] =	ssyncadd.s32 $0xFFFFC000  }
0x50: {  	_ =	swait.ge [sflag:s19], $0x2400  }
0x51: {  	[sflag:s19] =	ssyncset.done $0x0  }
0x52: {  	[sflag:s19] =	ssyncadd.s32 $0xFFFFDC00  }
0x53: {  	v0 =	vld [tilespmem:s30+$0xE470]  }
0x54: {  	v2 =	vld [tilespmem:s30+$0xE400]  }
0x55: {  	v3 =	vld [tilespmem:s30+$0xE410]  }
0x56: {  	v12 =	vld [tilespmem:s30+$0xE420]  }
0x57: {  	v10 =	vld [tilespmem:s30+$0xE430]  }
0x58: {  	v9 =	vimm.f32 $0.0e+00;
	v1 =	vimm.f32 $0.0e+00;
	v7 =	vld [tilespmem:s30+$0xE440]  }
0x59: {  	v6 =	vimm.f32 $0.0e+00;
	v8 =	vld [tilespmem:s30+$0xE450];
	v0 =	vadd.f32 v0, v1;
	v5 =	vadd.f32 v2, v1  }
0x5a: {  	s29 =	simm.s32 $0x400;
	s28 =	simm.s32 $0x80;
	v11 =	vld [tilespmem:s30+$0xE460];
	v4 =	vadd.f32 v3, v1;
	v3 =	vimm.f32 $0.0e+00;
	v2 =	vimm.f32 $0.0e+00  }
.LBB2_5:
0x5b: {  	p0 =	sne.s32 s29, $0x18E00;
	v13 =	vld [tilespmem:s28+$0xE470];
	v1 =	vadd.f32 v12, v1  }
0x5c: {  	v14 =	vld [tilespmem:s28+$0xE400];
	v6 =	vadd.f32 v10, v6  }
0x5d: {  	v15 =	vld [tilespmem:s28+$0xE410];
	v9 =	vadd.f32 v7, v9  }
.Ltmp1:
0x5e: {  	v12 =	vld [tilespmem:s28+$0xE420];
	v3 =	vadd.f32 v8, v3;
	(pc) =	sbr.rel @p0 .LBB2_5-.Ltmp1, $4  }
0x5f: {  	v10 =	vld [tilespmem:s28+$0xE430];
	v2 =	vadd.f32 v11, v2  }
0x60: {  	v7 =	vld [tilespmem:s28+$0xE440];
	v0 =	vadd.f32 v13, v0  }
0x61: {  	v5 =	vadd.f32 v14, v5;
	v8 =	vld [tilespmem:s28+$0xE450]  }
0x62: {  	v4 =	vadd.f32 v15, v4;
	v11 =	vld [tilespmem:s28+$0xE460];
	s28 =	sshra.s32 s29, $0x2;
	s29 =	sadd.s32 $0x200, s29  }
0x63: {  	v13 =	vld [tilespmem:s28+$0xE400]  }
0x64: {  	v14 =	vld [tilespmem:s28+$0xE410]  }
0x65: {  	v15 =	vld [tilespmem:s28+$0xE420]  }
0x66: {  	v1 =	vadd.f32 v12, v1;
	v12 =	vld [tilespmem:s28+$0xE450]  }
0x67: {  	v16 =	vld [tilespmem:s28+$0xE430]  }
0x68: {  	v17 =	vld [tilespmem:s28+$0xE440];
	v7 =	vadd.f32 v7, v9;
	v5 =	vadd.f32 v13, v5  }
0x69: {  	v9 =	vld [tilespmem:s28+$0xE470];
	v3 =	vadd.f32 v8, v3;
	v4 =	vadd.f32 v14, v4  }
0x6a: {  	v6 =	vadd.f32 v10, v6;
	v10 =	vld [tilespmem:s28+$0xE460];
	v1 =	vadd.f32 v15, v1;
	v5 =	vmul.f32 $4.999999890e-03, v5  }
0x6b: {  	v3 =	vadd.f32 v12, v3;
	v4 =	vmul.f32 $4.999999890e-03, v4  }
0x6c: {  	v6 =	vadd.f32 v16, v6;
	v1 =	vmul.f32 $4.999999890e-03, v1;
	[tilespmem:s26+$0x1AC80] =	vst v5  }
0x6d: {  	v2 =	vadd.f32 v11, v2;
	v7 =	vadd.f32 v17, v7;
	v3 =	vmul.f32 $4.999999890e-03, v3;
	[tilespmem:s26+$0x1AC90] =	vst v4  }
0x6e: {  	v0 =	vadd.f32 v9, v0;
	v4 =	vmul.f32 $4.999999890e-03, v6;
	[tilespmem:s26+$0x1ACA0] =	vst v1  }
0x6f: {  	s25 =	smin.u32 s25, $0x7B;
	v2 =	vadd.f32 v10, v2;
	v1 =	vmul.f32 $4.999999890e-03, v7;
	[tilespmem:s26+$0x1ACD0] =	vst v3  }
0x70: {  	s25 =	sadd.s32 $0x4, s25;
	v0 =	vmul.f32 $4.999999890e-03, v0;
	[tilespmem:s26+$0x1ACB0] =	vst v4  }
0x71: {  	s29 =	sshll.u32 s25, $0x8;
	s25 =	sshll.u32 s25, $0x7;
	[tilespmem:s26+$0x1ACC0] =	vst v1;
	v1 =	vmul.f32 $4.999999890e-03, v2  }
0x72: {  	s28 =	sand.u32 $0xF800, s29;
	s25 =	sand.u32 $0x380, s25;
	[tilespmem:s26+$0x1ACF0] =	vst v0  }
0x73: {  	s25 =	sor.u32 s25, s28;
	[tilespmem:s26+$0x1ACE0] =	vst v1  }
0x74: {  	[tilespmem:s13], [sflag:$0x2] =	stream.indirect.gather [hbm4b:s2+s8], $0x80, s25, s8, $0xb8;
	[tilespmem:$0x1EC00] =	vst v63  }
0x75: {  	s25 =	sor.u32 $0x400, s25  }
0x76: {  	[tilespmem:s15], [sflag:$0x2] =	stream.indirect.gather [hbm4b:s2+s10], $0x80, s25, s10, $0xb8;
	[tilespmem:$0x1EC00] =	vst v63  }
0x77: {  	_ =	swait.ge [sflag:s20], $0x4000  }
0x78: {  	[sflag:s20] =	ssyncset.done $0x0  }
0x79: {  	[sflag:s20] =	ssyncadd.s32 $0xFFFFC000  }
0x7a: {  	_ =	swait.ge [sflag:s20], $0x2400  }
0x7b: {  	[sflag:s20] =	ssyncset.done $0x0  }
0x7c: {  	s31 =	simm.s32 $0x0;
	[sflag:s20] =	ssyncadd.s32 $0xFFFFDC00  }
0x7d: {  	v0 =	vld [tilespmem:s31+$0x14870]  }
0x7e: {  	v1 =	vld [tilespmem:s31+$0x14800]  }
0x7f: {  	v3 =	vld [tilespmem:s31+$0x14810]  }
0x80: {  	v12 =	vld [tilespmem:s31+$0x14820]  }
0x81: {  	v11 =	vld [tilespmem:s31+$0x14830]  }
0x82: {  	v10 =	vimm.f32 $0.0e+00;
	v2 =	vimm.f32 $0.0e+00;
	v8 =	vld [tilespmem:s31+$0x14840]  }
0x83: {  	v7 =	vimm.f32 $0.0e+00;
	v5 =	vld [tilespmem:s31+$0x14850];
	v0 =	vadd.f32 v0, v2;
	v6 =	vadd.f32 v1, v2  }
0x84: {  	s26 =	simm.s32 $0x400;
	s25 =	simm.s32 $0x80;
	v9 =	vld [tilespmem:s31+$0x14860];
	v4 =	vadd.f32 v3, v2;
	v3 =	vimm.f32 $0.0e+00;
	v1 =	vimm.f32 $0.0e+00  }
.LBB2_7:
0x85: {  	p0 =	sne.s32 s26, $0x18E00;
	v13 =	vld [tilespmem:s25+$0x14870];
	v2 =	vadd.f32 v12, v2  }
0x86: {  	v14 =	vld [tilespmem:s25+$0x14800];
	v7 =	vadd.f32 v11, v7  }
0x87: {  	v15 =	vld [tilespmem:s25+$0x14810];
	v10 =	vadd.f32 v8, v10  }
.Ltmp2:
0x88: {  	v12 =	vld [tilespmem:s25+$0x14820];
	v3 =	vadd.f32 v5, v3;
	(pc) =	sbr.rel @p0 .LBB2_7-.Ltmp2, $4  }
0x89: {  	v11 =	vld [tilespmem:s25+$0x14830];
	v1 =	vadd.f32 v9, v1  }
0x8a: {  	v8 =	vld [tilespmem:s25+$0x14840];
	v0 =	vadd.f32 v13, v0  }
0x8b: {  	v6 =	vadd.f32 v14, v6;
	v5 =	vld [tilespmem:s25+$0x14850]  }
0x8c: {  	v4 =	vadd.f32 v15, v4;
	v9 =	vld [tilespmem:s25+$0x14860];
	s25 =	sshra.s32 s26, $0x2;
	s26 =	sadd.s32 $0x200, s26  }
0x8d: {  	v13 =	vld [tilespmem:s25+$0x14800]  }
0x8e: {  	v14 =	vld [tilespmem:s25+$0x14810]  }
0x8f: {  	v15 =	vld [tilespmem:s25+$0x14820]  }
0x90: {  	v16 =	vld [tilespmem:s25+$0x14830]  }
0x91: {  	v17 =	vld [tilespmem:s25+$0x14840]  }
0x92: {  	v2 =	vadd.f32 v12, v2;
	v57 =	vld [tilespmem:s25+$0x14850];
	v6 =	vadd.f32 v13, v6  }
0x93: {  	v59 =	vld [tilespmem:s25+$0x14870];
	v7 =	vadd.f32 v11, v7;
	v4 =	vadd.f32 v14, v4  }
0x94: {  	v58 =	vld [tilespmem:s25+$0x14860];
	s24 =	sshll.u32 s24, $0x7;
	v8 =	vadd.f32 v8, v10;
	v2 =	vadd.f32 v15, v2;
	v6 =	vmul.f32 $4.999999890e-03, v6  }
0x95: {  	s24 =	sand.u32 $0x3FFFFF80, s24;
	v3 =	vadd.f32 v5, v3;
	v60 =	vadd.f32 v16, v7;
	v4 =	vmul.f32 $4.999999890e-03, v4  }
0x96: {  	v61 =	vadd.f32 v17, v8;
	v2 =	vmul.f32 $4.999999890e-03, v2;
	[tilespmem:s24+$0x1AC00] =	vst v6  }
0x97: {  	s23 =	sadd.s32 $0x1, s23;
	v1 =	vadd.f32 v9, v1;
	v3 =	vadd.f32 v57, v3;
	v62 =	vmul.f32 $4.999999890e-03, v60;
	[tilespmem:s24+$0x1AC10] =	vst v4  }
0x98: {  	p0 =	sne.s32 s23, $0x2B;
	v0 =	vadd.f32 v59, v0;
	v63 =	vmul.f32 $4.999999890e-03, v61;
	[tilespmem:s24+$0x1AC20] =	vst v2  }
.Ltmp3:
0x99: {  	v1 =	vadd.f32 v58, v1;
	v3 =	vmul.f32 $4.999999890e-03, v3;
	[tilespmem:s24+$0x1AC30] =	vst v62;
	(pc) =	sbr.rel @p0 .LBB2_2-.Ltmp3, $4  }
0x9a: {  	v0 =	vmul.f32 $4.999999890e-03, v0;
	[tilespmem:s24+$0x1AC40] =	vst v63  }
0x9b: {  	v1 =	vmul.f32 $4.999999890e-03, v1;
	[tilespmem:s24+$0x1AC50] =	vst v3  }
0x9c: {  	[tilespmem:s24+$0x1AC70] =	vst v0  }
0x9d: {  	[tilespmem:s24+$0x1AC60] =	vst v1  }
0x9e: {  	_ =	swait.ge [sflag:s18], $0x4000  }
0x9f: {  	[sflag:s18] =	ssyncset.done $0x0  }
0xa0: {  	[sflag:s18] =	ssyncadd.s32 $0xFFFFC000  }
0xa1: {  	_ =	swait.ge [sflag:s18], $0x2400  }
0xa2: {  	[sflag:s18] =	ssyncset.done $0x0  }
0xa3: {  	[sflag:s18] =	ssyncadd.s32 $0xFFFFDC00  }
0xa4: {  	_ =	swait.ge [sflag:s19], $0x4000  }
0xa5: {  	[sflag:s19] =	ssyncset.done $0x0  }
0xa6: {  	[sflag:s19] =	ssyncadd.s32 $0xFFFFC000  }
0xa7: {  	s22 =	sadd.s32 $0x1, s22;
	_ =	swait.ge [sflag:s19], $0x2400  }
0xa8: {  	p0 =	sne.s32 s22, s6;
	[sflag:s19] =	ssyncset.done $0x0  }
.Ltmp4:
0xa9: {  	[sflag:s19] =	ssyncadd.s32 $0xFFFFDC00;
	(pc) =	sbr.rel @p0 .LBB2_1-.Ltmp4, $4  }
0xaa: {  	[hbm4b:s5+s3] =	stream.linear.scatter [tilespmem:s21], [sflag:$0x4], $0x4000, $0x38;
	[tilespmem:$0x1EC00] =	vst v63  }
0xab: {  	_ =	swait.ge [sflag:s7], $0x4000  }
0xac: {  	[sflag:s7] =	ssyncset.done $0x0  }
0xad: {  	[sflag:s7] =	ssyncadd.s32 $0xFFFFC000  }
0xae: {  	_ =	sfence.sel $0x180000  }
0xaf: {  	[bflag:$0x0] =	sbarrier.arrive $0xFFFF  }
0xb0: {  	p0 =	sne.s32 s0, $0x0;
	_ =	strace $0x90000047  }
0xb1: {  	s0 =	sadd.s32 @!p0 $0x100000, s1;
	[bflag:$0x2] =	sbarrier.arrive $0xFFFF  }
0xb2: {  	[sflag:s0] =	ssyncadd.tile.s32 @!p0 $0x1;
	_ =	shalt  }
.Lfunc_end2:
_tile_overlayer_lowered:
.L_overlay_start_2:
0xb3: {  	(tag) =	ssettag $0x2  }
0xb4: {  	s0 =	rddreg [dreg:$0x0];
	s2 =	stileid.u32  }
0xb5: {  	s1 =	rddreg [dreg:$0x1];
	p0 =	sne.s32 s2, $0x0  }
0xb6: {  	s3 =	rddreg [dreg:$0x2];
	[bflag:$0x3] =	sbarrier.arrive $0xFFFF;
	s2 =	simm.s32 @!p0 $0x1C04  }
0xb7: {  	[timem:s3], [sflag:s2] =	dma.local @!p0 [hbm:s0], s1  }
0xb8: {  	s0 =	simm.s32 @!p0 $0x4  }
0xb9: {  	_ =	swait.ge @!p0 [sflag:s0], s1  }
0xba: {  	s1 =	ssub.s32 @!p0 $0x0, s1;
	[sflag:s0] =	ssyncset.done @!p0 $0x0  }
0xbb: {  	[sflag:s0] =	ssyncadd.s32 @!p0 s1  }
0xbc: {  	[bflag:$0x3] =	sbarrier.arrive $0xFFFF  }
0xbd: {  	_ =	shalt  }

</sc_bundles>
